<compile_context>
chip_gen: v7x
topology: tpu7x:2x2x1
jax: 0.10.2.dev20260603
libtpu: 0.0.44.dev20260713+nightly
codegen_flags: <defaults>
</compile_context>

<pallas_src>
import functools

import jax
import jax.numpy as jnp
from jax import lax
from jax.experimental import pallas as pl
from jax.experimental.pallas import tpu as pltpu
from jax.experimental.pallas import tpu_sc as plsc

_B, _L, _T1, _D = 4, 12, 257, 768
_E, _C, _IMG, _H = 8, 21, 224, 16
_NCORES, _NSUB = 2, 16
_LANES = 16


def _sc_route_body(cls_hbm, gwt_hbm, gb_hbm, out_hbm, cls_v, gw_v, gb_v, out_v):
    wid = lax.axis_index("s") * _NCORES + lax.axis_index("c")
    b = wid // _E
    e = wid % _E

    pltpu.sync_copy(cls_hbm.at[b], cls_v)
    pltpu.sync_copy(gwt_hbm.at[e], gw_v)
    pltpu.sync_copy(gb_hbm, gb_v)

    lane = lax.broadcasted_iota(jnp.int32, (_LANES,), 0)

    def dbody(d, accs):
        g = gw_v[pl.ds(d * _LANES, _LANES)]
        return tuple(accs[l] + cls_v[l, pl.ds(d * _LANES, _LANES)] * g
                     for l in range(_L))
    zero = jnp.zeros((_LANES,), jnp.float32)
    accs = lax.fori_loop(0, _D // _LANES, dbody, tuple(zero for _ in range(_L)))
    scores = zero
    for l in range(_L):
        scores = jnp.where(lane == l, jnp.sum(accs[l]), scores)
    gbe = jnp.sum(jnp.where(lane == e, gb_v[...], 0.0))
    scores = scores + gbe

    masked = jnp.where(lane < _L, scores, -3e38)
    v1 = jnp.max(masked)
    i1 = jnp.min(jnp.where(masked >= v1, lane, _LANES))
    masked2 = jnp.where(lane == i1, -3e38, masked)
    v2 = jnp.max(masked2)
    i2 = jnp.min(jnp.where(masked2 >= v2, lane, _LANES))

    p = jnp.where(lane < _L, jnp.exp(masked - v1), 0.0)
    pn = p / jnp.full((_LANES,), jnp.sum(p), jnp.float32)
    pv1 = jnp.sum(jnp.where(lane == i1, pn, 0.0))
    pv2 = jnp.sum(jnp.where(lane == i2, pn, 0.0))

    t = jnp.exp(jnp.full((_LANES,), pv2 - pv1, jnp.float32))
    wa = 1.0 / (1.0 + t)
    wb = t * wa

    i1f = i1.astype(jnp.float32)
    i2f = i2.astype(jnp.float32)
    res = jnp.where(lane == 0, wa,
          jnp.where(lane == 1, wb,
          jnp.where(lane == 2, i1f,
          jnp.where(lane == 3, i2f, 0.0))))
    out_v[...] = res
    pltpu.sync_copy(out_v, out_hbm.at[wid])


@functools.cache
def _sc_route():
    return functools.partial(
        pl.kernel,
        out_type=jax.ShapeDtypeStruct((_B * _E, _LANES), jnp.float32),
        mesh=plsc.VectorSubcoreMesh(core_axis_name="c", subcore_axis_name="s",
                                    num_cores=_NCORES),
        compiler_params=pltpu.CompilerParams(needs_layout_passes=False),
        scratch_types=[
            pltpu.VMEM((_L, _D), jnp.float32),
            pltpu.VMEM((_D,), jnp.float32),
            pltpu.VMEM((_LANES,), jnp.float32),
            pltpu.VMEM((_LANES,), jnp.float32),
        ],
    )(_sc_route_body)


def _tc_body(sel_ref, f_ref, w1_ref, b1_ref, w2_ref,
             b2_ref, out_ref, w1bf_ref):
    b = pl.program_id(0)

    @pl.when(b == 0)
    def _():
        for e in range(_E):
            w1bf_ref[e] = w1_ref[e].astype(jnp.bfloat16)

    acc = None
    for e in range(_E):
        k = b * _E + e
        i1 = sel_ref[k, 2].astype(jnp.int32)
        i2 = sel_ref[k, 3].astype(jnp.int32)
        la = f_ref[0, pl.ds(i1, 1)][0]
        lb = f_ref[0, pl.ds(i2, 1)][0]
        mixed = sel_ref[k, 0] * la + sel_ref[k, 1] * lb
        mixed = mixed.astype(jnp.bfloat16)

        h = jnp.dot(mixed, w1bf_ref[e],
                    preferred_element_type=jnp.float32) + b1_ref[e]
        h = jnp.maximum(h, 0.0).astype(jnp.bfloat16)
        y = jnp.dot(h, w2_ref[e],
                    preferred_element_type=jnp.float32)
        acc = y if acc is None else acc + y

    bsum = jnp.sum(b2_ref[...], axis=0)
    out_ref[0] = acc[1:, :] * (1.0 / _E) + bsum * (1.0 / _E)


def _resize_body(avg_ref, r_ref, rt_ref, out_ref):
    a1 = jnp.dot(avg_ref[0], rt_ref[...],
                 preferred_element_type=jnp.float32)
    r = r_ref[...]
    for c in range(_C):
        out_ref[0, c] = jnp.dot(r, a1[c * _H:(c + 1) * _H, :],
                                preferred_element_type=jnp.float32)


def kernel(features, gate_w, gate_b, w1, b1, w2, b2):
    B, L, T1, D = features.shape
    E = w1.shape[0]
    C = w2.shape[2]
    T = T1 - 1

    cls = features[:, :, 0, :].astype(jnp.bfloat16).astype(jnp.float32)
    gwt = gate_w.T.astype(jnp.bfloat16).astype(jnp.float32)
    gb16 = jnp.pad(gate_b, (0, _LANES - E))
    sel = _sc_route()(cls, gwt, gb16)

    w2_bf = w2.astype(jnp.bfloat16)
    grid_spec = pltpu.PrefetchScalarGridSpec(
        num_scalar_prefetch=1,
        grid=(B,),
        in_specs=[
            pl.BlockSpec((1, L, T1, D), lambda b, s_s: (b, 0, 0, 0)),
            pl.BlockSpec((E, D, D), lambda b, s_s: (0, 0, 0)),
            pl.BlockSpec((E, 1, D), lambda b, s_s: (0, 0, 0)),
            pl.BlockSpec((E, D, C), lambda b, s_s: (0, 0, 0)),
            pl.BlockSpec((E, 1, C), lambda b, s_s: (0, 0, 0)),
        ],
        out_specs=pl.BlockSpec((1, T, C), lambda b, s_s: (b, 0, 0)),
        scratch_shapes=[pltpu.VMEM((E, D, D), jnp.bfloat16)],
    )
    avg = pl.pallas_call(
        _tc_body,
        grid_spec=grid_spec,
        out_shape=jax.ShapeDtypeStruct((B, T, C), jnp.float32),
    )(sel, features, w1, b1.reshape(E, 1, D),
      w2_bf, b2.reshape(E, 1, C))

    avg_m = avg.transpose(0, 2, 1).reshape(B, C * _H, _H)

    r_mat = jax.image.resize(jnp.eye(_H, dtype=jnp.float32), (_IMG, _H),
                             method="bilinear")

    out = pl.pallas_call(
        _resize_body,
        grid=(B,),
        in_specs=[
            pl.BlockSpec((1, C * _H, _H), lambda b: (b, 0, 0)),
            pl.BlockSpec((_IMG, _H), lambda b: (0, 0)),
            pl.BlockSpec((_H, _IMG), lambda b: (0, 0)),
        ],
        out_specs=pl.BlockSpec((1, C, _IMG, _IMG), lambda b: (b, 0, 0, 0)),
        out_shape=jax.ShapeDtypeStruct((B, C, _IMG, _IMG), jnp.float32),
    )(avg_m, r_mat, r_mat.T)
    return out

# --- scband reference (transcript-rebuilt; emitter-appended) ---
"""Pipeline reference for scband-mo-eupper-net-10797547782496 (READ-ONLY COPY).

The authoritative reference and input builder live on the scoring server;
editing this copy changes nothing except your own understanding.
"""

import jax, jax.numpy as jnp
import numpy as np

B, L, T1, D = 4, 12, 257, 768
E, K, C, IMG = 8, 2, 21, 224


def setup_inputs(seed: int = 0) -> dict:
    key = jax.random.key(seed)
    ks = jax.random.split(key, 8)
    return {
        "features": jax.random.normal(ks[0], (B, L, T1, D), dtype=jnp.float32),
        "gate_w": jax.random.normal(ks[1], (D, E), dtype=jnp.float32) * 0.02,
        "gate_b": jnp.zeros((E,), dtype=jnp.float32),
        "w1": jax.random.normal(ks[2], (E, D, D), dtype=jnp.float32) * 0.02,
        "b1": jnp.zeros((E, D), dtype=jnp.float32),
        "w2": jax.random.normal(ks[3], (E, D, C), dtype=jnp.float32) * 0.02,
        "b2": jnp.zeros((E, C), dtype=jnp.float32),
    }


def _upernet_head(tokens, w1, b1, w2, b2):
    # Stand-in for UPerNet(num_classes, image_size): token grid -> MLP head -> bilinear upsample.
    b, t, d = tokens.shape
    h = int(round(t ** 0.5))
    x = tokens.reshape(b, h, h, d)
    x = jax.nn.relu(x @ w1 + b1)
    x = x @ w2 + b2  # [B, h, h, C]
    x = jax.image.resize(x, (b, IMG, IMG, x.shape[-1]), method="bilinear")
    return jnp.transpose(x, (0, 3, 1, 2))  # [B, C, IMG, IMG]


def reference(features, gate_w, gate_b, w1, b1, w2, b2):
    cls_tokens = features[:, :, 0, :]          # [B, L, D]
    feats = features[:, :, 1:, :]              # [B, L, T, D]
    gate_score = cls_tokens @ gate_w + gate_b  # [B, L, E]
    gate_score = jnp.transpose(gate_score, (0, 2, 1))  # [B, E, L]
    gate_prob = jax.nn.softmax(gate_score, axis=-1)
    expert_logits = []
    for i in range(E):
        vals, idx = jax.lax.top_k(gate_prob[:, i, :], K)  # [B, K]
        gi = jnp.broadcast_to(idx[:, :, None, None], (feats.shape[0], K, feats.shape[2], feats.shape[3]))
        topk_feats = jnp.take_along_axis(feats, gi, axis=1)  # [B, K, T, D]
        w = jax.nn.softmax(vals, axis=-1)[:, :, None, None]
        mixed = (topk_feats * w).sum(axis=1)  # [B, T, D]
        expert_logits.append(_upernet_head(mixed, w1[i], b1[i], w2[i], b2[i]))
    return jnp.stack(expert_logits, axis=-1).mean(axis=-1)

if __name__ == "__main__":
    import jax
    _d = setup_inputs()
    print(jax.jit(kernel)(*tuple(_d.values())))

</pallas_src>

<mosaic_0001>
#map = affine_map<(d0, d1) -> (0, 0, 0)>
#map1 = affine_map<(d0, d1) -> (0, 0)>
#map2 = affine_map<(d0, d1) -> (0)>
module attributes {stable_mosaic.version = 14 : i64} {
  func.func @_sc_route_body(%arg0: i32, %arg1: i32, %arg2: memref<4x12x768xf32, #tpu.memory_space<hbm>>, %arg3: memref<8x768xf32, #tpu.memory_space<hbm>>, %arg4: memref<16xf32, #tpu.memory_space<hbm>>, %arg5: memref<32x16xf32, #tpu.memory_space<hbm>>, %arg6: memref<12x768xf32, #tpu.memory_space<vmem>>, %arg7: memref<768xf32, #tpu.memory_space<vmem>>, %arg8: memref<16xf32, #tpu.memory_space<vmem>>, %arg9: memref<16xf32, #tpu.memory_space<vmem>>) attributes {dimension_semantics = [#tpu.dimension_semantics<core_parallel>, #tpu.dimension_semantics<subcore_parallel>], iteration_bounds = array<i64: 2, 16>, scalar_prefetch = 0 : i64, scratch_operands = 4 : i64, tpu.core_type = #tpu.core_type<sc_vector_subcore>, window_params = [{transform_indices = #map}, {transform_indices = #map1}, {transform_indices = #map2}, {transform_indices = #map1}]} {
    %mul3A = arith.constant 2 : i32
    %mul3A_0 = arith.muli %arg1, %mul3A : i32
    %add3A = arith.addi %mul3A_0, %arg0 : i32
    %jit3A = arith.constant 8 : i32
    %div3A = arith.divsi %add3A, %jit3A : i32
    %sign3A = arith.constant 0 : i32
    %sign3A_1 = arith.cmpi sgt, %add3A, %sign3A : i32
    %sign3A_2 = arith.extui %sign3A_1 : i1 to i32
    %sign3A_3 = arith.constant 0 : i32
    %sign3A_4 = arith.cmpi slt, %add3A, %sign3A_3 : i32
    %sign3A_5 = arith.extui %sign3A_4 : i1 to i32
    %sign3A_6 = arith.subi %sign3A_2, %sign3A_5 : i32
    %sign3A_7 = arith.constant 0 : i32
    %sign3A_8 = arith.cmpi sgt, %jit3A, %sign3A_7 : i32
    %sign3A_9 = arith.extui %sign3A_8 : i1 to i32
    %sign3A_10 = arith.constant 0 : i32
    %sign3A_11 = arith.cmpi slt, %jit3A, %sign3A_10 : i32
    %sign3A_12 = arith.extui %sign3A_11 : i1 to i32
    %sign3A_13 = arith.subi %sign3A_9, %sign3A_12 : i32
    %ne3A = arith.cmpi ne, %sign3A_6, %sign3A_13 : i32
    %rem3A = arith.remsi %add3A, %jit3A : i32
    %ne3A_14 = arith.constant 0 : i32
    %ne3A_15 = arith.cmpi ne, %rem3A, %ne3A_14 : i32
    %and3A = arith.andi %ne3A, %ne3A_15 : i1
    %sub3A = arith.constant 1 : i32
    %sub3A_16 = arith.subi %div3A, %sub3A : i32
    %select_n3A = arith.select %and3A, %sub3A_16, %div3A : i32
    %jit3A_17 = arith.constant 8 : i32
    %eq3A = arith.constant 0 : i32
    %eq3A_18 = arith.cmpi eq, %jit3A_17, %eq3A : i32
    %jit3A_19 = arith.constant 1 : i32
    %select_n3A_20 = arith.select %eq3A_18, %jit3A_19, %jit3A_17 : i32
    %rem3A_21 = arith.remsi %add3A, %select_n3A_20 : i32
    %ne3A_22 = arith.constant 0 : i32
    %ne3A_23 = arith.cmpi ne, %rem3A_21, %ne3A_22 : i32
    %lt3A = arith.constant 0 : i32
    %lt3A_24 = arith.cmpi slt, %rem3A_21, %lt3A : i32
    %lt3A_25 = arith.constant 0 : i32
    %lt3A_26 = arith.cmpi slt, %select_n3A_20, %lt3A_25 : i32
    %ne3A_27 = arith.xori %lt3A_24, %lt3A_26 : i1
    %and3A_28 = arith.andi %ne3A_27, %ne3A_23 : i1
    %add3A_29 = arith.addi %rem3A_21, %select_n3A_20 : i32
    %select_n3A_30 = arith.select %and3A_28, %add3A_29, %rem3A_21 : i32
    "tpu.region"() ({
      %run_scoped3A = tpu.sem_alloc : memref<!tpu.dma_semaphore, #tpu.memory_space<semaphore_mem>>
      %dma_start3A = arith.constant 0 : i32
      %dma_start3A_262 = arith.constant 0 : i32
      %dma_start3A_263 = tpu.memref_slice %arg2[%select_n3A, %dma_start3A, %dma_start3A_262] : memref<4x12x768xf32, #tpu.memory_space<hbm>> -> memref<1x12x768xf32, #tpu.memory_space<hbm>>
      %dma_start3A_264 = tpu.memref_squeeze %dma_start3A_263 : memref<1x12x768xf32, #tpu.memory_space<hbm>> -> memref<12x768xf32, #tpu.memory_space<hbm>>
      %dma_start3A_265 = arith.constant 0 : i32
      %dma_start3A_266 = arith.constant 0 : i32
      %dma_start3A_267 = tpu.memref_slice %arg2[%select_n3A, %dma_start3A_265, %dma_start3A_266] : memref<4x12x768xf32, #tpu.memory_space<hbm>> -> memref<1x12x768xf32, #tpu.memory_space<hbm>>
      %dma_start3A_268 = tpu.memref_squeeze %dma_start3A_267 : memref<1x12x768xf32, #tpu.memory_space<hbm>> -> memref<12x768xf32, #tpu.memory_space<hbm>>
      tpu.enqueue_dma source(%dma_start3A_268 : memref<12x768xf32, #tpu.memory_space<hbm>>) target(%arg6 : memref<12x768xf32, #tpu.memory_space<vmem>>) target_semaphore(%run_scoped3A : memref<!tpu.dma_semaphore, #tpu.memory_space<semaphore_mem>>)
      %dma_wait3A = arith.constant 0 : i32
      %dma_wait3A_269 = arith.constant 0 : i32
      %dma_wait3A_270 = tpu.memref_slice %arg2[%select_n3A, %dma_wait3A, %dma_wait3A_269] : memref<4x12x768xf32, #tpu.memory_space<hbm>> -> memref<1x12x768xf32, #tpu.memory_space<hbm>>
      %dma_wait3A_271 = tpu.memref_squeeze %dma_wait3A_270 : memref<1x12x768xf32, #tpu.memory_space<hbm>> -> memref<12x768xf32, #tpu.memory_space<hbm>>
      %dma_wait3A_272 = arith.constant 0 : i32
      %dma_wait3A_273 = arith.constant 0 : i32
      %dma_wait3A_274 = tpu.memref_slice %arg2[%select_n3A, %dma_wait3A_272, %dma_wait3A_273] : memref<4x12x768xf32, #tpu.memory_space<hbm>> -> memref<1x12x768xf32, #tpu.memory_space<hbm>>
      %dma_wait3A_275 = tpu.memref_squeeze %dma_wait3A_274 : memref<1x12x768xf32, #tpu.memory_space<hbm>> -> memref<12x768xf32, #tpu.memory_space<hbm>>
      tpu.wait_dma2 semaphore(%run_scoped3A : memref<!tpu.dma_semaphore, #tpu.memory_space<semaphore_mem>>) src(%dma_wait3A_275 : memref<12x768xf32, #tpu.memory_space<hbm>>) dst(%arg6 : memref<12x768xf32, #tpu.memory_space<vmem>>)
      tpu.yield
    }) : () -> ()
    "tpu.region"() ({
      %run_scoped3A = tpu.sem_alloc : memref<!tpu.dma_semaphore, #tpu.memory_space<semaphore_mem>>
      %dma_start3A = arith.constant 0 : i32
      %dma_start3A_262 = tpu.memref_slice %arg3[%select_n3A_30, %dma_start3A] : memref<8x768xf32, #tpu.memory_space<hbm>> -> memref<1x768xf32, #tpu.memory_space<hbm>>
      %dma_start3A_263 = tpu.memref_squeeze %dma_start3A_262 : memref<1x768xf32, #tpu.memory_space<hbm>> -> memref<768xf32, #tpu.memory_space<hbm>>
      %dma_start3A_264 = arith.constant 0 : i32
      %dma_start3A_265 = tpu.memref_slice %arg3[%select_n3A_30, %dma_start3A_264] : memref<8x768xf32, #tpu.memory_space<hbm>> -> memref<1x768xf32, #tpu.memory_space<hbm>>
      %dma_start3A_266 = tpu.memref_squeeze %dma_start3A_265 : memref<1x768xf32, #tpu.memory_space<hbm>> -> memref<768xf32, #tpu.memory_space<hbm>>
      tpu.enqueue_dma source(%dma_start3A_266 : memref<768xf32, #tpu.memory_space<hbm>>) target(%arg7 : memref<768xf32, #tpu.memory_space<vmem>>) target_semaphore(%run_scoped3A : memref<!tpu.dma_semaphore, #tpu.memory_space<semaphore_mem>>)
      %dma_wait3A = arith.constant 0 : i32
      %dma_wait3A_267 = tpu.memref_slice %arg3[%select_n3A_30, %dma_wait3A] : memref<8x768xf32, #tpu.memory_space<hbm>> -> memref<1x768xf32, #tpu.memory_space<hbm>>
      %dma_wait3A_268 = tpu.memref_squeeze %dma_wait3A_267 : memref<1x768xf32, #tpu.memory_space<hbm>> -> memref<768xf32, #tpu.memory_space<hbm>>
      %dma_wait3A_269 = arith.constant 0 : i32
      %dma_wait3A_270 = tpu.memref_slice %arg3[%select_n3A_30, %dma_wait3A_269] : memref<8x768xf32, #tpu.memory_space<hbm>> -> memref<1x768xf32, #tpu.memory_space<hbm>>
      %dma_wait3A_271 = tpu.memref_squeeze %dma_wait3A_270 : memref<1x768xf32, #tpu.memory_space<hbm>> -> memref<768xf32, #tpu.memory_space<hbm>>
      tpu.wait_dma2 semaphore(%run_scoped3A : memref<!tpu.dma_semaphore, #tpu.memory_space<semaphore_mem>>) src(%dma_wait3A_271 : memref<768xf32, #tpu.memory_space<hbm>>) dst(%arg7 : memref<768xf32, #tpu.memory_space<vmem>>)
      tpu.yield
    }) : () -> ()
    "tpu.region"() ({
      %run_scoped3A = tpu.sem_alloc : memref<!tpu.dma_semaphore, #tpu.memory_space<semaphore_mem>>
      tpu.enqueue_dma source(%arg4 : memref<16xf32, #tpu.memory_space<hbm>>) target(%arg8 : memref<16xf32, #tpu.memory_space<vmem>>) target_semaphore(%run_scoped3A : memref<!tpu.dma_semaphore, #tpu.memory_space<semaphore_mem>>)
      tpu.wait_dma2 semaphore(%run_scoped3A : memref<!tpu.dma_semaphore, #tpu.memory_space<semaphore_mem>>) src(%arg4 : memref<16xf32, #tpu.memory_space<hbm>>) dst(%arg8 : memref<16xf32, #tpu.memory_space<vmem>>)
      tpu.yield
    }) : () -> ()
    %iota3A = tpu.iota {dimensions = array<i32: 0>} : vector<16xi32>
    %broadcast_in_dim3A = arith.constant 0.000000e+00 : f32
    %broadcast_in_dim3A_31 = vector.broadcast %broadcast_in_dim3A : f32 to vector<16xf32>
    %scan3A = arith.constant 0 : i32
    %scan3A_32 = arith.constant 48 : i32
    %scan3A_33 = arith.addi %scan3A, %scan3A_32 : i32
    %scan3A_34 = arith.constant 1 : i32
    %scan3A_35:12 = scf.for %scan3A_262 = %scan3A to %scan3A_33 step %scan3A_34 iter_args(%scan3A_263 = %broadcast_in_dim3A_31, %scan3A_264 = %broadcast_in_dim3A_31, %scan3A_265 = %broadcast_in_dim3A_31, %scan3A_266 = %broadcast_in_dim3A_31, %scan3A_267 = %broadcast_in_dim3A_31, %scan3A_268 = %broadcast_in_dim3A_31, %scan3A_269 = %broadcast_in_dim3A_31, %scan3A_270 = %broadcast_in_dim3A_31, %scan3A_271 = %broadcast_in_dim3A_31, %scan3A_272 = %broadcast_in_dim3A_31, %scan3A_273 = %broadcast_in_dim3A_31, %scan3A_274 = %broadcast_in_dim3A_31) -> (vector<16xf32>, vector<16xf32>, vector<16xf32>, vector<16xf32>, vector<16xf32>, vector<16xf32>, vector<16xf32>, vector<16xf32>, vector<16xf32>, vector<16xf32>, vector<16xf32>, vector<16xf32>)  : i32 {
      %mul3A_275 = arith.constant 16 : i32
      %mul3A_276 = arith.muli %scan3A_262, %mul3A_275 : i32
      %get3A_277 = arith.index_cast %mul3A_276 : i32 to index
      %get3A_278 = tpu.vector_load %arg7[%get3A_277] {strides = array<i32>} : memref<768xf32, #tpu.memory_space<vmem>>, vector<16xf32>,
      %mul3A_279 = arith.constant 16 : i32
      %mul3A_280 = arith.muli %scan3A_262, %mul3A_279 : i32
      %get3A_281 = arith.constant 0 : i32
      %get3A_282 = arith.index_cast %get3A_281 : i32 to index
      %get3A_283 = arith.index_cast %mul3A_280 : i32 to index
      %get3A_284 = tpu.vector_load %arg6[%get3A_282, %get3A_283] {strides = array<i32>} : memref<12x768xf32, #tpu.memory_space<vmem>>, vector<16xf32>,
      %mul3A_285 = arith.mulf %get3A_284, %get3A_278 : vector<16xf32>
      %add3A_286 = arith.addf %scan3A_263, %mul3A_285 : vector<16xf32>
      %mul3A_287 = arith.constant 16 : i32
      %mul3A_288 = arith.muli %scan3A_262, %mul3A_287 : i32
      %get3A_289 = arith.constant 1 : i32
      %get3A_290 = arith.index_cast %get3A_289 : i32 to index
      %get3A_291 = arith.index_cast %mul3A_288 : i32 to index
      %get3A_292 = tpu.vector_load %arg6[%get3A_290, %get3A_291] {strides = array<i32>} : memref<12x768xf32, #tpu.memory_space<vmem>>, vector<16xf32>,
      %mul3A_293 = arith.mulf %get3A_292, %get3A_278 : vector<16xf32>
      %add3A_294 = arith.addf %scan3A_264, %mul3A_293 : vector<16xf32>
      %mul3A_295 = arith.constant 16 : i32
      %mul3A_296 = arith.muli %scan3A_262, %mul3A_295 : i32
      %get3A_297 = arith.constant 2 : i32
      %get3A_298 = arith.index_cast %get3A_297 : i32 to index
      %get3A_299 = arith.index_cast %mul3A_296 : i32 to index
      %get3A_300 = tpu.vector_load %arg6[%get3A_298, %get3A_299] {strides = array<i32>} : memref<12x768xf32, #tpu.memory_space<vmem>>, vector<16xf32>,
      %mul3A_301 = arith.mulf %get3A_300, %get3A_278 : vector<16xf32>
      %add3A_302 = arith.addf %scan3A_265, %mul3A_301 : vector<16xf32>
      %mul3A_303 = arith.constant 16 : i32
      %mul3A_304 = arith.muli %scan3A_262, %mul3A_303 : i32
      %get3A_305 = arith.constant 3 : i32
      %get3A_306 = arith.index_cast %get3A_305 : i32 to index
      %get3A_307 = arith.index_cast %mul3A_304 : i32 to index
      %get3A_308 = tpu.vector_load %arg6[%get3A_306, %get3A_307] {strides = array<i32>} : memref<12x768xf32, #tpu.memory_space<vmem>>, vector<16xf32>,
      %mul3A_309 = arith.mulf %get3A_308, %get3A_278 : vector<16xf32>
      %add3A_310 = arith.addf %scan3A_266, %mul3A_309 : vector<16xf32>
      %mul3A_311 = arith.constant 16 : i32
      %mul3A_312 = arith.muli %scan3A_262, %mul3A_311 : i32
      %get3A_313 = arith.constant 4 : i32
      %get3A_314 = arith.index_cast %get3A_313 : i32 to index
      %get3A_315 = arith.index_cast %mul3A_312 : i32 to index
      %get3A_316 = tpu.vector_load %arg6[%get3A_314, %get3A_315] {strides = array<i32>} : memref<12x768xf32, #tpu.memory_space<vmem>>, vector<16xf32>,
      %mul3A_317 = arith.mulf %get3A_316, %get3A_278 : vector<16xf32>
      %add3A_318 = arith.addf %scan3A_267, %mul3A_317 : vector<16xf32>
      %mul3A_319 = arith.constant 16 : i32
      %mul3A_320 = arith.muli %scan3A_262, %mul3A_319 : i32
      %get3A_321 = arith.constant 5 : i32
      %get3A_322 = arith.index_cast %get3A_321 : i32 to index
      %get3A_323 = arith.index_cast %mul3A_320 : i32 to index
      %get3A_324 = tpu.vector_load %arg6[%get3A_322, %get3A_323] {strides = array<i32>} : memref<12x768xf32, #tpu.memory_space<vmem>>, vector<16xf32>,
      %mul3A_325 = arith.mulf %get3A_324, %get3A_278 : vector<16xf32>
      %add3A_326 = arith.addf %scan3A_268, %mul3A_325 : vector<16xf32>
      %mul3A_327 = arith.constant 16 : i32
      %mul3A_328 = arith.muli %scan3A_262, %mul3A_327 : i32
      %get3A_329 = arith.constant 6 : i32
      %get3A_330 = arith.index_cast %get3A_329 : i32 to index
      %get3A_331 = arith.index_cast %mul3A_328 : i32 to index
      %get3A_332 = tpu.vector_load %arg6[%get3A_330, %get3A_331] {strides = array<i32>} : memref<12x768xf32, #tpu.memory_space<vmem>>, vector<16xf32>,
      %mul3A_333 = arith.mulf %get3A_332, %get3A_278 : vector<16xf32>
      %add3A_334 = arith.addf %scan3A_269, %mul3A_333 : vector<16xf32>
      %mul3A_335 = arith.constant 16 : i32
      %mul3A_336 = arith.muli %scan3A_262, %mul3A_335 : i32
      %get3A_337 = arith.constant 7 : i32
      %get3A_338 = arith.index_cast %get3A_337 : i32 to index
      %get3A_339 = arith.index_cast %mul3A_336 : i32 to index
      %get3A_340 = tpu.vector_load %arg6[%get3A_338, %get3A_339] {strides = array<i32>} : memref<12x768xf32, #tpu.memory_space<vmem>>, vector<16xf32>,
      %mul3A_341 = arith.mulf %get3A_340, %get3A_278 : vector<16xf32>
      %add3A_342 = arith.addf %scan3A_270, %mul3A_341 : vector<16xf32>
      %mul3A_343 = arith.constant 16 : i32
      %mul3A_344 = arith.muli %scan3A_262, %mul3A_343 : i32
      %get3A_345 = arith.constant 8 : i32
      %get3A_346 = arith.index_cast %get3A_345 : i32 to index
      %get3A_347 = arith.index_cast %mul3A_344 : i32 to index
      %get3A_348 = tpu.vector_load %arg6[%get3A_346, %get3A_347] {strides = array<i32>} : memref<12x768xf32, #tpu.memory_space<vmem>>, vector<16xf32>,
      %mul3A_349 = arith.mulf %get3A_348, %get3A_278 : vector<16xf32>
      %add3A_350 = arith.addf %scan3A_271, %mul3A_349 : vector<16xf32>
      %mul3A_351 = arith.constant 16 : i32
      %mul3A_352 = arith.muli %scan3A_262, %mul3A_351 : i32
      %get3A_353 = arith.constant 9 : i32
      %get3A_354 = arith.index_cast %get3A_353 : i32 to index
      %get3A_355 = arith.index_cast %mul3A_352 : i32 to index
      %get3A_356 = tpu.vector_load %arg6[%get3A_354, %get3A_355] {strides = array<i32>} : memref<12x768xf32, #tpu.memory_space<vmem>>, vector<16xf32>,
      %mul3A_357 = arith.mulf %get3A_356, %get3A_278 : vector<16xf32>
      %add3A_358 = arith.addf %scan3A_272, %mul3A_357 : vector<16xf32>
      %mul3A_359 = arith.constant 16 : i32
      %mul3A_360 = arith.muli %scan3A_262, %mul3A_359 : i32
      %get3A_361 = arith.constant 10 : i32
      %get3A_362 = arith.index_cast %get3A_361 : i32 to index
      %get3A_363 = arith.index_cast %mul3A_360 : i32 to index
      %get3A_364 = tpu.vector_load %arg6[%get3A_362, %get3A_363] {strides = array<i32>} : memref<12x768xf32, #tpu.memory_space<vmem>>, vector<16xf32>,
      %mul3A_365 = arith.mulf %get3A_364, %get3A_278 : vector<16xf32>
      %add3A_366 = arith.addf %scan3A_273, %mul3A_365 : vector<16xf32>
      %mul3A_367 = arith.constant 16 : i32
      %mul3A_368 = arith.muli %scan3A_262, %mul3A_367 : i32
      %get3A_369 = arith.constant 11 : i32
      %get3A_370 = arith.index_cast %get3A_369 : i32 to index
      %get3A_371 = arith.index_cast %mul3A_368 : i32 to index
      %get3A_372 = tpu.vector_load %arg6[%get3A_370, %get3A_371] {strides = array<i32>} : memref<12x768xf32, #tpu.memory_space<vmem>>, vector<16xf32>,
      %mul3A_373 = arith.mulf %get3A_372, %get3A_278 : vector<16xf32>
      %add3A_374 = arith.addf %scan3A_274, %mul3A_373 : vector<16xf32>
      scf.yield %add3A_286, %add3A_294, %add3A_302, %add3A_310, %add3A_318, %add3A_326, %add3A_334, %add3A_342, %add3A_350, %add3A_358, %add3A_366, %add3A_374 : vector<16xf32>, vector<16xf32>, vector<16xf32>, vector<16xf32>, vector<16xf32>, vector<16xf32>, vector<16xf32>, vector<16xf32>, vector<16xf32>, vector<16xf32>, vector<16xf32>, vector<16xf32>
    }
    %scan3A_36 = arith.constant 48 : i32
    %eq3A_37 = arith.constant 0 : i32
    %eq3A_38 = vector.broadcast %eq3A_37 : i32 to vector<16xi32>
    %eq3A_39 = arith.cmpi eq, %iota3A, %eq3A_38 : vector<16xi32>
    %reduce_sum3A = arith.constant true
    %reduce_sum3A_40 = vector.broadcast %reduce_sum3A : i1 to vector<16xi1>
    %reduce_sum3A_41 = tpu.scan <sum>, %scan3A_35#0 masked %reduce_sum3A_40 : vector<16xf32>, vector<16xi1> -> vector<16xf32>
    %reduce_sum3A_42 = vector.extract %reduce_sum3A_41[15] : f32 from vector<16xf32>
    %broadcast_in_dim3A_43 = vector.broadcast %reduce_sum3A_42 : f32 to vector<16xf32>
    %select_n3A_44 = arith.select %eq3A_39, %broadcast_in_dim3A_43, %broadcast_in_dim3A_31 : vector<16xi1>, vector<16xf32>
    %eq3A_45 = arith.constant 1 : i32
    %eq3A_46 = vector.broadcast %eq3A_45 : i32 to vector<16xi32>
    %eq3A_47 = arith.cmpi eq, %iota3A, %eq3A_46 : vector<16xi32>
    %reduce_sum3A_48 = arith.constant true
    %reduce_sum3A_49 = vector.broadcast %reduce_sum3A_48 : i1 to vector<16xi1>
    %reduce_sum3A_50 = tpu.scan <sum>, %scan3A_35#1 masked %reduce_sum3A_49 : vector<16xf32>, vector<16xi1> -> vector<16xf32>
    %reduce_sum3A_51 = vector.extract %reduce_sum3A_50[15] : f32 from vector<16xf32>
    %broadcast_in_dim3A_52 = vector.broadcast %reduce_sum3A_51 : f32 to vector<16xf32>
    %select_n3A_53 = arith.select %eq3A_47, %broadcast_in_dim3A_52, %select_n3A_44 : vector<16xi1>, vector<16xf32>
    %eq3A_54 = arith.constant 2 : i32
    %eq3A_55 = vector.broadcast %eq3A_54 : i32 to vector<16xi32>
    %eq3A_56 = arith.cmpi eq, %iota3A, %eq3A_55 : vector<16xi32>
    %reduce_sum3A_57 = arith.constant true
    %reduce_sum3A_58 = vector.broadcast %reduce_sum3A_57 : i1 to vector<16xi1>
    %reduce_sum3A_59 = tpu.scan <sum>, %scan3A_35#2 masked %reduce_sum3A_58 : vector<16xf32>, vector<16xi1> -> vector<16xf32>
    %reduce_sum3A_60 = vector.extract %reduce_sum3A_59[15] : f32 from vector<16xf32>
    %broadcast_in_dim3A_61 = vector.broadcast %reduce_sum3A_60 : f32 to vector<16xf32>
    %select_n3A_62 = arith.select %eq3A_56, %broadcast_in_dim3A_61, %select_n3A_53 : vector<16xi1>, vector<16xf32>
    %eq3A_63 = arith.constant 3 : i32
    %eq3A_64 = vector.broadcast %eq3A_63 : i32 to vector<16xi32>
    %eq3A_65 = arith.cmpi eq, %iota3A, %eq3A_64 : vector<16xi32>
    %reduce_sum3A_66 = arith.constant true
    %reduce_sum3A_67 = vector.broadcast %reduce_sum3A_66 : i1 to vector<16xi1>
    %reduce_sum3A_68 = tpu.scan <sum>, %scan3A_35#3 masked %reduce_sum3A_67 : vector<16xf32>, vector<16xi1> -> vector<16xf32>
    %reduce_sum3A_69 = vector.extract %reduce_sum3A_68[15] : f32 from vector<16xf32>
    %broadcast_in_dim3A_70 = vector.broadcast %reduce_sum3A_69 : f32 to vector<16xf32>
    %select_n3A_71 = arith.select %eq3A_65, %broadcast_in_dim3A_70, %select_n3A_62 : vector<16xi1>, vector<16xf32>
    %eq3A_72 = arith.constant 4 : i32
    %eq3A_73 = vector.broadcast %eq3A_72 : i32 to vector<16xi32>
    %eq3A_74 = arith.cmpi eq, %iota3A, %eq3A_73 : vector<16xi32>
    %reduce_sum3A_75 = arith.constant true
    %reduce_sum3A_76 = vector.broadcast %reduce_sum3A_75 : i1 to vector<16xi1>
    %reduce_sum3A_77 = tpu.scan <sum>, %scan3A_35#4 masked %reduce_sum3A_76 : vector<16xf32>, vector<16xi1> -> vector<16xf32>
    %reduce_sum3A_78 = vector.extract %reduce_sum3A_77[15] : f32 from vector<16xf32>
    %broadcast_in_dim3A_79 = vector.broadcast %reduce_sum3A_78 : f32 to vector<16xf32>
    %select_n3A_80 = arith.select %eq3A_74, %broadcast_in_dim3A_79, %select_n3A_71 : vector<16xi1>, vector<16xf32>
    %eq3A_81 = arith.constant 5 : i32
    %eq3A_82 = vector.broadcast %eq3A_81 : i32 to vector<16xi32>
    %eq3A_83 = arith.cmpi eq, %iota3A, %eq3A_82 : vector<16xi32>
    %reduce_sum3A_84 = arith.constant true
    %reduce_sum3A_85 = vector.broadcast %reduce_sum3A_84 : i1 to vector<16xi1>
    %reduce_sum3A_86 = tpu.scan <sum>, %scan3A_35#5 masked %reduce_sum3A_85 : vector<16xf32>, vector<16xi1> -> vector<16xf32>
    %reduce_sum3A_87 = vector.extract %reduce_sum3A_86[15] : f32 from vector<16xf32>
    %broadcast_in_dim3A_88 = vector.broadcast %reduce_sum3A_87 : f32 to vector<16xf32>
    %select_n3A_89 = arith.select %eq3A_83, %broadcast_in_dim3A_88, %select_n3A_80 : vector<16xi1>, vector<16xf32>
    %eq3A_90 = arith.constant 6 : i32
    %eq3A_91 = vector.broadcast %eq3A_90 : i32 to vector<16xi32>
    %eq3A_92 = arith.cmpi eq, %iota3A, %eq3A_91 : vector<16xi32>
    %reduce_sum3A_93 = arith.constant true
    %reduce_sum3A_94 = vector.broadcast %reduce_sum3A_93 : i1 to vector<16xi1>
    %reduce_sum3A_95 = tpu.scan <sum>, %scan3A_35#6 masked %reduce_sum3A_94 : vector<16xf32>, vector<16xi1> -> vector<16xf32>
    %reduce_sum3A_96 = vector.extract %reduce_sum3A_95[15] : f32 from vector<16xf32>
    %broadcast_in_dim3A_97 = vector.broadcast %reduce_sum3A_96 : f32 to vector<16xf32>
    %select_n3A_98 = arith.select %eq3A_92, %broadcast_in_dim3A_97, %select_n3A_89 : vector<16xi1>, vector<16xf32>
    %eq3A_99 = arith.constant 7 : i32
    %eq3A_100 = vector.broadcast %eq3A_99 : i32 to vector<16xi32>
    %eq3A_101 = arith.cmpi eq, %iota3A, %eq3A_100 : vector<16xi32>
    %reduce_sum3A_102 = arith.constant true
    %reduce_sum3A_103 = vector.broadcast %reduce_sum3A_102 : i1 to vector<16xi1>
    %reduce_sum3A_104 = tpu.scan <sum>, %scan3A_35#7 masked %reduce_sum3A_103 : vector<16xf32>, vector<16xi1> -> vector<16xf32>
    %reduce_sum3A_105 = vector.extract %reduce_sum3A_104[15] : f32 from vector<16xf32>
    %broadcast_in_dim3A_106 = vector.broadcast %reduce_sum3A_105 : f32 to vector<16xf32>
    %select_n3A_107 = arith.select %eq3A_101, %broadcast_in_dim3A_106, %select_n3A_98 : vector<16xi1>, vector<16xf32>
    %eq3A_108 = arith.constant 8 : i32
    %eq3A_109 = vector.broadcast %eq3A_108 : i32 to vector<16xi32>
    %eq3A_110 = arith.cmpi eq, %iota3A, %eq3A_109 : vector<16xi32>
    %reduce_sum3A_111 = arith.constant true
    %reduce_sum3A_112 = vector.broadcast %reduce_sum3A_111 : i1 to vector<16xi1>
    %reduce_sum3A_113 = tpu.scan <sum>, %scan3A_35#8 masked %reduce_sum3A_112 : vector<16xf32>, vector<16xi1> -> vector<16xf32>
    %reduce_sum3A_114 = vector.extract %reduce_sum3A_113[15] : f32 from vector<16xf32>
    %broadcast_in_dim3A_115 = vector.broadcast %reduce_sum3A_114 : f32 to vector<16xf32>
    %select_n3A_116 = arith.select %eq3A_110, %broadcast_in_dim3A_115, %select_n3A_107 : vector<16xi1>, vector<16xf32>
    %eq3A_117 = arith.constant 9 : i32
    %eq3A_118 = vector.broadcast %eq3A_117 : i32 to vector<16xi32>
    %eq3A_119 = arith.cmpi eq, %iota3A, %eq3A_118 : vector<16xi32>
    %reduce_sum3A_120 = arith.constant true
    %reduce_sum3A_121 = vector.broadcast %reduce_sum3A_120 : i1 to vector<16xi1>
    %reduce_sum3A_122 = tpu.scan <sum>, %scan3A_35#9 masked %reduce_sum3A_121 : vector<16xf32>, vector<16xi1> -> vector<16xf32>
    %reduce_sum3A_123 = vector.extract %reduce_sum3A_122[15] : f32 from vector<16xf32>
    %broadcast_in_dim3A_124 = vector.broadcast %reduce_sum3A_123 : f32 to vector<16xf32>
    %select_n3A_125 = arith.select %eq3A_119, %broadcast_in_dim3A_124, %select_n3A_116 : vector<16xi1>, vector<16xf32>
    %eq3A_126 = arith.constant 10 : i32
    %eq3A_127 = vector.broadcast %eq3A_126 : i32 to vector<16xi32>
    %eq3A_128 = arith.cmpi eq, %iota3A, %eq3A_127 : vector<16xi32>
    %reduce_sum3A_129 = arith.constant true
    %reduce_sum3A_130 = vector.broadcast %reduce_sum3A_129 : i1 to vector<16xi1>
    %reduce_sum3A_131 = tpu.scan <sum>, %scan3A_35#10 masked %reduce_sum3A_130 : vector<16xf32>, vector<16xi1> -> vector<16xf32>
    %reduce_sum3A_132 = vector.extract %reduce_sum3A_131[15] : f32 from vector<16xf32>
    %broadcast_in_dim3A_133 = vector.broadcast %reduce_sum3A_132 : f32 to vector<16xf32>
    %select_n3A_134 = arith.select %eq3A_128, %broadcast_in_dim3A_133, %select_n3A_125 : vector<16xi1>, vector<16xf32>
    %eq3A_135 = arith.constant 11 : i32
    %eq3A_136 = vector.broadcast %eq3A_135 : i32 to vector<16xi32>
    %eq3A_137 = arith.cmpi eq, %iota3A, %eq3A_136 : vector<16xi32>
    %reduce_sum3A_138 = arith.constant true
    %reduce_sum3A_139 = vector.broadcast %reduce_sum3A_138 : i1 to vector<16xi1>
    %reduce_sum3A_140 = tpu.scan <sum>, %scan3A_35#11 masked %reduce_sum3A_139 : vector<16xf32>, vector<16xi1> -> vector<16xf32>
    %reduce_sum3A_141 = vector.extract %reduce_sum3A_140[15] : f32 from vector<16xf32>
    %broadcast_in_dim3A_142 = vector.broadcast %reduce_sum3A_141 : f32 to vector<16xf32>
    %select_n3A_143 = arith.select %eq3A_137, %broadcast_in_dim3A_142, %select_n3A_134 : vector<16xi1>, vector<16xf32>
    %eq3A_144 = vector.broadcast %select_n3A_30 : i32 to vector<16xi32>
    %eq3A_145 = arith.cmpi eq, %iota3A, %eq3A_144 : vector<16xi32>
    %get3A = arith.constant 0 : index
    %get3A_146 = tpu.vector_load %arg8[%get3A] {strides = array<i32>} : memref<16xf32, #tpu.memory_space<vmem>>, vector<16xf32>,
    %jit3A_147 = arith.constant 0.000000e+00 : f32
    %broadcast_in_dim3A_148 = vector.broadcast %jit3A_147 : f32 to vector<16xf32>
    %select_n3A_149 = arith.select %eq3A_145, %get3A_146, %broadcast_in_dim3A_148 : vector<16xi1>, vector<16xf32>
    %reduce_sum3A_150 = arith.constant true
    %reduce_sum3A_151 = vector.broadcast %reduce_sum3A_150 : i1 to vector<16xi1>
    %reduce_sum3A_152 = tpu.scan <sum>, %select_n3A_149 masked %reduce_sum3A_151 : vector<16xf32>, vector<16xi1> -> vector<16xf32>
    %reduce_sum3A_153 = vector.extract %reduce_sum3A_152[15] : f32 from vector<16xf32>
    %add3A_154 = vector.broadcast %reduce_sum3A_153 : f32 to vector<16xf32>
    %add3A_155 = arith.addf %select_n3A_143, %add3A_154 : vector<16xf32>
    %lt3A_156 = arith.constant 12 : i32
    %lt3A_157 = vector.broadcast %lt3A_156 : i32 to vector<16xi32>
    %lt3A_158 = arith.cmpi slt, %iota3A, %lt3A_157 : vector<16xi32>
    %jit3A_159 = arith.constant -3.000000e+38 : f32
    %broadcast_in_dim3A_160 = vector.broadcast %jit3A_159 : f32 to vector<16xf32>
    %select_n3A_161 = arith.select %lt3A_158, %add3A_155, %broadcast_in_dim3A_160 : vector<16xi1>, vector<16xf32>
    %reduce_max3A = arith.constant true
    %reduce_max3A_162 = vector.broadcast %reduce_max3A : i1 to vector<16xi1>
    %reduce_max3A_163 = tpu.scan <max>, %select_n3A_161 masked %reduce_max3A_162 : vector<16xf32>, vector<16xi1> -> vector<16xf32>
    %reduce_max3A_164 = vector.extract %reduce_max3A_163[15] : f32 from vector<16xf32>
    %ge3A = vector.broadcast %reduce_max3A_164 : f32 to vector<16xf32>
    %ge3A_165 = arith.cmpf oge, %select_n3A_161, %ge3A : vector<16xf32>
    %jit3A_166 = arith.constant 16 : i32
    %broadcast_in_dim3A_167 = vector.broadcast %jit3A_166 : i32 to vector<16xi32>
    %select_n3A_168 = arith.select %ge3A_165, %iota3A, %broadcast_in_dim3A_167 : vector<16xi1>, vector<16xi32>
    %reduce_min3A = arith.constant true
    %reduce_min3A_169 = vector.broadcast %reduce_min3A : i1 to vector<16xi1>
    %reduce_min3A_170 = arith.constant -2147483648 : i32
    %reduce_min3A_171 = vector.broadcast %reduce_min3A_170 : i32 to vector<16xi32>
    %reduce_min3A_172 = arith.xori %select_n3A_168, %reduce_min3A_171 : vector<16xi32>
    %reduce_min3A_173 = tpu.scan <min>, %reduce_min3A_172 masked %reduce_min3A_169 : vector<16xi32>, vector<16xi1> -> vector<16xi32>
    %reduce_min3A_174 = arith.xori %reduce_min3A_173, %reduce_min3A_171 : vector<16xi32>
    %reduce_min3A_175 = vector.extract %reduce_min3A_174[15] : i32 from vector<16xi32>
    %eq3A_176 = vector.broadcast %reduce_min3A_175 : i32 to vector<16xi32>
    %eq3A_177 = arith.cmpi eq, %iota3A, %eq3A_176 : vector<16xi32>
    %jit3A_178 = arith.constant -3.000000e+38 : f32
    %broadcast_in_dim3A_179 = vector.broadcast %jit3A_178 : f32 to vector<16xf32>
    %select_n3A_180 = arith.select %eq3A_177, %broadcast_in_dim3A_179, %select_n3A_161 : vector<16xi1>, vector<16xf32>
    %reduce_max3A_181 = arith.constant true
    %reduce_max3A_182 = vector.broadcast %reduce_max3A_181 : i1 to vector<16xi1>
    %reduce_max3A_183 = tpu.scan <max>, %select_n3A_180 masked %reduce_max3A_182 : vector<16xf32>, vector<16xi1> -> vector<16xf32>
    %reduce_max3A_184 = vector.extract %reduce_max3A_183[15] : f32 from vector<16xf32>
    %ge3A_185 = vector.broadcast %reduce_max3A_184 : f32 to vector<16xf32>
    %ge3A_186 = arith.cmpf oge, %select_n3A_180, %ge3A_185 : vector<16xf32>
    %jit3A_187 = arith.constant 16 : i32
    %broadcast_in_dim3A_188 = vector.broadcast %jit3A_187 : i32 to vector<16xi32>
    %select_n3A_189 = arith.select %ge3A_186, %iota3A, %broadcast_in_dim3A_188 : vector<16xi1>, vector<16xi32>
    %reduce_min3A_190 = arith.constant true
    %reduce_min3A_191 = vector.broadcast %reduce_min3A_190 : i1 to vector<16xi1>
    %reduce_min3A_192 = arith.constant -2147483648 : i32
    %reduce_min3A_193 = vector.broadcast %reduce_min3A_192 : i32 to vector<16xi32>
    %reduce_min3A_194 = arith.xori %select_n3A_189, %reduce_min3A_193 : vector<16xi32>
    %reduce_min3A_195 = tpu.scan <min>, %reduce_min3A_194 masked %reduce_min3A_191 : vector<16xi32>, vector<16xi1> -> vector<16xi32>
    %reduce_min3A_196 = arith.xori %reduce_min3A_195, %reduce_min3A_193 : vector<16xi32>
    %reduce_min3A_197 = vector.extract %reduce_min3A_196[15] : i32 from vector<16xi32>
    %lt3A_198 = arith.constant 12 : i32
    %lt3A_199 = vector.broadcast %lt3A_198 : i32 to vector<16xi32>
    %lt3A_200 = arith.cmpi slt, %iota3A, %lt3A_199 : vector<16xi32>
    %sub3A_201 = vector.broadcast %reduce_max3A_164 : f32 to vector<16xf32>
    %sub3A_202 = arith.subf %select_n3A_161, %sub3A_201 : vector<16xf32>
    %exp3A = math.exp %sub3A_202 : vector<16xf32>
    %jit3A_203 = arith.constant 0.000000e+00 : f32
    %broadcast_in_dim3A_204 = vector.broadcast %jit3A_203 : f32 to vector<16xf32>
    %select_n3A_205 = arith.select %lt3A_200, %exp3A, %broadcast_in_dim3A_204 : vector<16xi1>, vector<16xf32>
    %reduce_sum3A_206 = arith.constant true
    %reduce_sum3A_207 = vector.broadcast %reduce_sum3A_206 : i1 to vector<16xi1>
    %reduce_sum3A_208 = tpu.scan <sum>, %select_n3A_205 masked %reduce_sum3A_207 : vector<16xf32>, vector<16xi1> -> vector<16xf32>
    %reduce_sum3A_209 = vector.extract %reduce_sum3A_208[15] : f32 from vector<16xf32>
    %broadcast_in_dim3A_210 = vector.broadcast %reduce_sum3A_209 : f32 to vector<16xf32>
    %div3A_211 = arith.divf %select_n3A_205, %broadcast_in_dim3A_210 : vector<16xf32>
    %eq3A_212 = vector.broadcast %reduce_min3A_175 : i32 to vector<16xi32>
    %eq3A_213 = arith.cmpi eq, %iota3A, %eq3A_212 : vector<16xi32>
    %jit3A_214 = arith.constant 0.000000e+00 : f32
    %broadcast_in_dim3A_215 = vector.broadcast %jit3A_214 : f32 to vector<16xf32>
    %select_n3A_216 = arith.select %eq3A_213, %div3A_211, %broadcast_in_dim3A_215 : vector<16xi1>, vector<16xf32>
    %reduce_sum3A_217 = arith.constant true
    %reduce_sum3A_218 = vector.broadcast %reduce_sum3A_217 : i1 to vector<16xi1>
    %reduce_sum3A_219 = tpu.scan <sum>, %select_n3A_216 masked %reduce_sum3A_218 : vector<16xf32>, vector<16xi1> -> vector<16xf32>
    %reduce_sum3A_220 = vector.extract %reduce_sum3A_219[15] : f32 from vector<16xf32>
    %eq3A_221 = vector.broadcast %reduce_min3A_197 : i32 to vector<16xi32>
    %eq3A_222 = arith.cmpi eq, %iota3A, %eq3A_221 : vector<16xi32>
    %jit3A_223 = arith.constant 0.000000e+00 : f32
    %broadcast_in_dim3A_224 = vector.broadcast %jit3A_223 : f32 to vector<16xf32>
    %select_n3A_225 = arith.select %eq3A_222, %div3A_211, %broadcast_in_dim3A_224 : vector<16xi1>, vector<16xf32>
    %reduce_sum3A_226 = arith.constant true
    %reduce_sum3A_227 = vector.broadcast %reduce_sum3A_226 : i1 to vector<16xi1>
    %reduce_sum3A_228 = tpu.scan <sum>, %select_n3A_225 masked %reduce_sum3A_227 : vector<16xf32>, vector<16xi1> -> vector<16xf32>
    %reduce_sum3A_229 = vector.extract %reduce_sum3A_228[15] : f32 from vector<16xf32>
    %sub3A_230 = arith.subf %reduce_sum3A_229, %reduce_sum3A_220 : f32
    %broadcast_in_dim3A_231 = vector.broadcast %sub3A_230 : f32 to vector<16xf32>
    %exp3A_232 = math.exp %broadcast_in_dim3A_231 : vector<16xf32>
    %add3A_233 = arith.constant 1.000000e+00 : f32
    %add3A_234 = vector.broadcast %add3A_233 : f32 to vector<16xf32>
    %add3A_235 = arith.addf %add3A_234, %exp3A_232 : vector<16xf32>
    %div3A_236 = arith.constant 1.000000e+00 : f32
    %div3A_237 = vector.broadcast %div3A_236 : f32 to vector<16xf32>
    %div3A_238 = arith.divf %div3A_237, %add3A_235 : vector<16xf32>
    %mul3A_239 = arith.mulf %exp3A_232, %div3A_238 : vector<16xf32>
    %convert_element_type3A = arith.sitofp %reduce_min3A_175 : i32 to f32
    %convert_element_type3A_240 = arith.sitofp %reduce_min3A_197 : i32 to f32
    %eq3A_241 = arith.constant 0 : i32
    %eq3A_242 = vector.broadcast %eq3A_241 : i32 to vector<16xi32>
    %eq3A_243 = arith.cmpi eq, %iota3A, %eq3A_242 : vector<16xi32>
    %eq3A_244 = arith.constant 1 : i32
    %eq3A_245 = vector.broadcast %eq3A_244 : i32 to vector<16xi32>
    %eq3A_246 = arith.cmpi eq, %iota3A, %eq3A_245 : vector<16xi32>
    %eq3A_247 = arith.constant 2 : i32
    %eq3A_248 = vector.broadcast %eq3A_247 : i32 to vector<16xi32>
    %eq3A_249 = arith.cmpi eq, %iota3A, %eq3A_248 : vector<16xi32>
    %eq3A_250 = arith.constant 3 : i32
    %eq3A_251 = vector.broadcast %eq3A_250 : i32 to vector<16xi32>
    %eq3A_252 = arith.cmpi eq, %iota3A, %eq3A_251 : vector<16xi32>
    %jit3A_253 = arith.constant 0.000000e+00 : f32
    %broadcast_in_dim3A_254 = vector.broadcast %convert_element_type3A_240 : f32 to vector<16xf32>
    %broadcast_in_dim3A_255 = vector.broadcast %jit3A_253 : f32 to vector<16xf32>
    %select_n3A_256 = arith.select %eq3A_252, %broadcast_in_dim3A_254, %broadcast_in_dim3A_255 : vector<16xi1>, vector<16xf32>
    %broadcast_in_dim3A_257 = vector.broadcast %convert_element_type3A : f32 to vector<16xf32>
    %select_n3A_258 = arith.select %eq3A_249, %broadcast_in_dim3A_257, %select_n3A_256 : vector<16xi1>, vector<16xf32>
    %select_n3A_259 = arith.select %eq3A_246, %mul3A_239, %select_n3A_258 : vector<16xi1>, vector<16xf32>
    %select_n3A_260 = arith.select %eq3A_243, %div3A_238, %select_n3A_259 : vector<16xi1>, vector<16xf32>
    %swap3A = arith.constant 0 : index
    %swap3A_261 = tpu.vector_load %arg9[%swap3A] {strides = array<i32>} : memref<16xf32, #tpu.memory_space<vmem>>, vector<16xf32>,
    tpu.vector_store %arg9[%swap3A], %select_n3A_260 {strides = array<i32>} : memref<16xf32, #tpu.memory_space<vmem>>, vector<16xf32>,
    "tpu.region"() ({
      %run_scoped3A = tpu.sem_alloc : memref<!tpu.dma_semaphore, #tpu.memory_space<semaphore_mem>>
      %dma_start3A = arith.constant 0 : i32
      %dma_start3A_262 = tpu.memref_slice %arg5[%add3A, %dma_start3A] : memref<32x16xf32, #tpu.memory_space<hbm>> -> memref<1x16xf32, #tpu.memory_space<hbm>>
      %dma_start3A_263 = tpu.memref_squeeze %dma_start3A_262 : memref<1x16xf32, #tpu.memory_space<hbm>> -> memref<16xf32, #tpu.memory_space<hbm>>
      %dma_start3A_264 = arith.constant 0 : i32
      %dma_start3A_265 = tpu.memref_slice %arg5[%add3A, %dma_start3A_264] : memref<32x16xf32, #tpu.memory_space<hbm>> -> memref<1x16xf32, #tpu.memory_space<hbm>>
      %dma_start3A_266 = tpu.memref_squeeze %dma_start3A_265 : memref<1x16xf32, #tpu.memory_space<hbm>> -> memref<16xf32, #tpu.memory_space<hbm>>
      tpu.enqueue_dma source(%arg9 : memref<16xf32, #tpu.memory_space<vmem>>) target(%dma_start3A_266 : memref<16xf32, #tpu.memory_space<hbm>>) target_semaphore(%run_scoped3A : memref<!tpu.dma_semaphore, #tpu.memory_space<semaphore_mem>>)
      %dma_wait3A = arith.constant 0 : i32
      %dma_wait3A_267 = tpu.memref_slice %arg5[%add3A, %dma_wait3A] : memref<32x16xf32, #tpu.memory_space<hbm>> -> memref<1x16xf32, #tpu.memory_space<hbm>>
      %dma_wait3A_268 = tpu.memref_squeeze %dma_wait3A_267 : memref<1x16xf32, #tpu.memory_space<hbm>> -> memref<16xf32, #tpu.memory_space<hbm>>
      %dma_wait3A_269 = arith.constant 0 : i32
      %dma_wait3A_270 = tpu.memref_slice %arg5[%add3A, %dma_wait3A_269] : memref<32x16xf32, #tpu.memory_space<hbm>> -> memref<1x16xf32, #tpu.memory_space<hbm>>
      %dma_wait3A_271 = tpu.memref_squeeze %dma_wait3A_270 : memref<1x16xf32, #tpu.memory_space<hbm>> -> memref<16xf32, #tpu.memory_space<hbm>>
      tpu.wait_dma2 semaphore(%run_scoped3A : memref<!tpu.dma_semaphore, #tpu.memory_space<semaphore_mem>>) src(%arg9 : memref<16xf32, #tpu.memory_space<vmem>>) dst(%dma_wait3A_271 : memref<16xf32, #tpu.memory_space<hbm>>)
      tpu.yield
    }) : () -> ()
    return
  }
}

module attributes {stable_mosaic.version = 14 : i64} {
  func.func @_tc_body(%arg0: i32, %arg1: memref<32x16xf32, #tpu.memory_space<smem>>, %arg2: memref<1x12x257x768xf32, #tpu.memory_space<vmem>>, %arg3: memref<8x768x768xf32, #tpu.memory_space<vmem>>, %arg4: memref<8x1x768xf32, #tpu.memory_space<vmem>>, %arg5: memref<8x768x21xbf16, #tpu.memory_space<vmem>>, %arg6: memref<8x1x21xf32, #tpu.memory_space<vmem>>, %arg7: memref<1x256x21xf32, #tpu.memory_space<vmem>>, %arg8: memref<8x768x768xbf16, #tpu.memory_space<vmem>>) attributes {dimension_semantics = [#tpu.dimension_semantics<arbitrary>], iteration_bounds = array<i64: 4>, scalar_prefetch = 1 : i64, scratch_operands = 1 : i64, tpu.core_type = #tpu.core_type<tc>, window_params = [{transform_indices = @transform_0, window_bounds = array<i64: 1, 12, 257, 768>}, {pipeline_mode = #tpu.pipeline_mode<synchronous>, transform_indices = @transform_1, window_bounds = array<i64: 8, 768, 768>}, {pipeline_mode = #tpu.pipeline_mode<synchronous>, transform_indices = @transform_2, window_bounds = array<i64: 8, 1, 768>}, {pipeline_mode = #tpu.pipeline_mode<synchronous>, transform_indices = @transform_3, window_bounds = array<i64: 8, 768, 21>}, {pipeline_mode = #tpu.pipeline_mode<synchronous>, transform_indices = @transform_4, window_bounds = array<i64: 8, 1, 21>}, {transform_indices = @transform_5, window_bounds = array<i64: 1, 256, 21>}]} {
    %eq3A = arith.constant 0 : i32
    %eq3A_0 = arith.cmpi eq, %arg0, %eq3A : i32
    %convert_element_type3A = arith.extui %eq3A_0 : i1 to i32
    %cond3A = arith.constant 0 : i32
    %cond3A_1 = arith.cmpi ne, %convert_element_type3A, %cond3A : i32
    scf.if %cond3A_1 {
      %get3A_525 = arith.constant 0 : index
      %get3A_526 = arith.constant 0 : index
      %get3A_527 = arith.constant 0 : index
      %get3A_528 = vector.load %arg3[%get3A_525, %get3A_526, %get3A_527] : memref<8x768x768xf32, #tpu.memory_space<vmem>>, vector<1x768x768xf32>
      %get3A_529 = vector.shape_cast %get3A_528 : vector<1x768x768xf32> to vector<768x768xf32>
      %convert_element_type3A_530 = arith.truncf %get3A_529 : vector<768x768xf32> to vector<768x768xbf16>
      %swap3A_531 = arith.constant 0 : index
      %swap3A_532 = arith.constant 0 : index
      %swap3A_533 = arith.constant 0 : index
      %swap3A_534 = vector.load %arg8[%swap3A_531, %swap3A_532, %swap3A_533] : memref<8x768x768xbf16, #tpu.memory_space<vmem>>, vector<1x768x768xbf16>
      %swap3A_535 = vector.shape_cast %swap3A_534 : vector<1x768x768xbf16> to vector<768x768xbf16>
      %swap3A_536 = vector.shape_cast %convert_element_type3A_530 : vector<768x768xbf16> to vector<1x768x768xbf16>
      tpu.vector_store %arg8[%swap3A_531, %swap3A_532, %swap3A_533], %swap3A_536 {strides = array<i32>} : memref<8x768x768xbf16, #tpu.memory_space<vmem>>, vector<1x768x768xbf16>,
      %get3A_537 = arith.constant 1 : index
      %get3A_538 = arith.constant 0 : index
      %get3A_539 = arith.constant 0 : index
      %get3A_540 = vector.load %arg3[%get3A_537, %get3A_538, %get3A_539] : memref<8x768x768xf32, #tpu.memory_space<vmem>>, vector<1x768x768xf32>
      %get3A_541 = vector.shape_cast %get3A_540 : vector<1x768x768xf32> to vector<768x768xf32>
      %convert_element_type3A_542 = arith.truncf %get3A_541 : vector<768x768xf32> to vector<768x768xbf16>
      %swap3A_543 = arith.constant 1 : index
      %swap3A_544 = arith.constant 0 : index
      %swap3A_545 = arith.constant 0 : index
      %swap3A_546 = vector.load %arg8[%swap3A_543, %swap3A_544, %swap3A_545] : memref<8x768x768xbf16, #tpu.memory_space<vmem>>, vector<1x768x768xbf16>
      %swap3A_547 = vector.shape_cast %swap3A_546 : vector<1x768x768xbf16> to vector<768x768xbf16>
      %swap3A_548 = vector.shape_cast %convert_element_type3A_542 : vector<768x768xbf16> to vector<1x768x768xbf16>
      tpu.vector_store %arg8[%swap3A_543, %swap3A_544, %swap3A_545], %swap3A_548 {strides = array<i32>} : memref<8x768x768xbf16, #tpu.memory_space<vmem>>, vector<1x768x768xbf16>,
      %get3A_549 = arith.constant 2 : index
      %get3A_550 = arith.constant 0 : index
      %get3A_551 = arith.constant 0 : index
      %get3A_552 = vector.load %arg3[%get3A_549, %get3A_550, %get3A_551] : memref<8x768x768xf32, #tpu.memory_space<vmem>>, vector<1x768x768xf32>
      %get3A_553 = vector.shape_cast %get3A_552 : vector<1x768x768xf32> to vector<768x768xf32>
      %convert_element_type3A_554 = arith.truncf %get3A_553 : vector<768x768xf32> to vector<768x768xbf16>
      %swap3A_555 = arith.constant 2 : index
      %swap3A_556 = arith.constant 0 : index
      %swap3A_557 = arith.constant 0 : index
      %swap3A_558 = vector.load %arg8[%swap3A_555, %swap3A_556, %swap3A_557] : memref<8x768x768xbf16, #tpu.memory_space<vmem>>, vector<1x768x768xbf16>
      %swap3A_559 = vector.shape_cast %swap3A_558 : vector<1x768x768xbf16> to vector<768x768xbf16>
      %swap3A_560 = vector.shape_cast %convert_element_type3A_554 : vector<768x768xbf16> to vector<1x768x768xbf16>
      tpu.vector_store %arg8[%swap3A_555, %swap3A_556, %swap3A_557], %swap3A_560 {strides = array<i32>} : memref<8x768x768xbf16, #tpu.memory_space<vmem>>, vector<1x768x768xbf16>,
      %get3A_561 = arith.constant 3 : index
      %get3A_562 = arith.constant 0 : index
      %get3A_563 = arith.constant 0 : index
      %get3A_564 = vector.load %arg3[%get3A_561, %get3A_562, %get3A_563] : memref<8x768x768xf32, #tpu.memory_space<vmem>>, vector<1x768x768xf32>
      %get3A_565 = vector.shape_cast %get3A_564 : vector<1x768x768xf32> to vector<768x768xf32>
      %convert_element_type3A_566 = arith.truncf %get3A_565 : vector<768x768xf32> to vector<768x768xbf16>
      %swap3A_567 = arith.constant 3 : index
      %swap3A_568 = arith.constant 0 : index
      %swap3A_569 = arith.constant 0 : index
      %swap3A_570 = vector.load %arg8[%swap3A_567, %swap3A_568, %swap3A_569] : memref<8x768x768xbf16, #tpu.memory_space<vmem>>, vector<1x768x768xbf16>
      %swap3A_571 = vector.shape_cast %swap3A_570 : vector<1x768x768xbf16> to vector<768x768xbf16>
      %swap3A_572 = vector.shape_cast %convert_element_type3A_566 : vector<768x768xbf16> to vector<1x768x768xbf16>
      tpu.vector_store %arg8[%swap3A_567, %swap3A_568, %swap3A_569], %swap3A_572 {strides = array<i32>} : memref<8x768x768xbf16, #tpu.memory_space<vmem>>, vector<1x768x768xbf16>,
      %get3A_573 = arith.constant 4 : index
      %get3A_574 = arith.constant 0 : index
      %get3A_575 = arith.constant 0 : index
      %get3A_576 = vector.load %arg3[%get3A_573, %get3A_574, %get3A_575] : memref<8x768x768xf32, #tpu.memory_space<vmem>>, vector<1x768x768xf32>
      %get3A_577 = vector.shape_cast %get3A_576 : vector<1x768x768xf32> to vector<768x768xf32>
      %convert_element_type3A_578 = arith.truncf %get3A_577 : vector<768x768xf32> to vector<768x768xbf16>
      %swap3A_579 = arith.constant 4 : index
      %swap3A_580 = arith.constant 0 : index
      %swap3A_581 = arith.constant 0 : index
      %swap3A_582 = vector.load %arg8[%swap3A_579, %swap3A_580, %swap3A_581] : memref<8x768x768xbf16, #tpu.memory_space<vmem>>, vector<1x768x768xbf16>
      %swap3A_583 = vector.shape_cast %swap3A_582 : vector<1x768x768xbf16> to vector<768x768xbf16>
      %swap3A_584 = vector.shape_cast %convert_element_type3A_578 : vector<768x768xbf16> to vector<1x768x768xbf16>
      tpu.vector_store %arg8[%swap3A_579, %swap3A_580, %swap3A_581], %swap3A_584 {strides = array<i32>} : memref<8x768x768xbf16, #tpu.memory_space<vmem>>, vector<1x768x768xbf16>,
      %get3A_585 = arith.constant 5 : index
      %get3A_586 = arith.constant 0 : index
      %get3A_587 = arith.constant 0 : index
      %get3A_588 = vector.load %arg3[%get3A_585, %get3A_586, %get3A_587] : memref<8x768x768xf32, #tpu.memory_space<vmem>>, vector<1x768x768xf32>
      %get3A_589 = vector.shape_cast %get3A_588 : vector<1x768x768xf32> to vector<768x768xf32>
      %convert_element_type3A_590 = arith.truncf %get3A_589 : vector<768x768xf32> to vector<768x768xbf16>
      %swap3A_591 = arith.constant 5 : index
      %swap3A_592 = arith.constant 0 : index
      %swap3A_593 = arith.constant 0 : index
      %swap3A_594 = vector.load %arg8[%swap3A_591, %swap3A_592, %swap3A_593] : memref<8x768x768xbf16, #tpu.memory_space<vmem>>, vector<1x768x768xbf16>
      %swap3A_595 = vector.shape_cast %swap3A_594 : vector<1x768x768xbf16> to vector<768x768xbf16>
      %swap3A_596 = vector.shape_cast %convert_element_type3A_590 : vector<768x768xbf16> to vector<1x768x768xbf16>
      tpu.vector_store %arg8[%swap3A_591, %swap3A_592, %swap3A_593], %swap3A_596 {strides = array<i32>} : memref<8x768x768xbf16, #tpu.memory_space<vmem>>, vector<1x768x768xbf16>,
      %get3A_597 = arith.constant 6 : index
      %get3A_598 = arith.constant 0 : index
      %get3A_599 = arith.constant 0 : index
      %get3A_600 = vector.load %arg3[%get3A_597, %get3A_598, %get3A_599] : memref<8x768x768xf32, #tpu.memory_space<vmem>>, vector<1x768x768xf32>
      %get3A_601 = vector.shape_cast %get3A_600 : vector<1x768x768xf32> to vector<768x768xf32>
      %convert_element_type3A_602 = arith.truncf %get3A_601 : vector<768x768xf32> to vector<768x768xbf16>
      %swap3A_603 = arith.constant 6 : index
      %swap3A_604 = arith.constant 0 : index
      %swap3A_605 = arith.constant 0 : index
      %swap3A_606 = vector.load %arg8[%swap3A_603, %swap3A_604, %swap3A_605] : memref<8x768x768xbf16, #tpu.memory_space<vmem>>, vector<1x768x768xbf16>
      %swap3A_607 = vector.shape_cast %swap3A_606 : vector<1x768x768xbf16> to vector<768x768xbf16>
      %swap3A_608 = vector.shape_cast %convert_element_type3A_602 : vector<768x768xbf16> to vector<1x768x768xbf16>
      tpu.vector_store %arg8[%swap3A_603, %swap3A_604, %swap3A_605], %swap3A_608 {strides = array<i32>} : memref<8x768x768xbf16, #tpu.memory_space<vmem>>, vector<1x768x768xbf16>,
      %get3A_609 = arith.constant 7 : index
      %get3A_610 = arith.constant 0 : index
      %get3A_611 = arith.constant 0 : index
      %get3A_612 = vector.load %arg3[%get3A_609, %get3A_610, %get3A_611] : memref<8x768x768xf32, #tpu.memory_space<vmem>>, vector<1x768x768xf32>
      %get3A_613 = vector.shape_cast %get3A_612 : vector<1x768x768xf32> to vector<768x768xf32>
      %convert_element_type3A_614 = arith.truncf %get3A_613 : vector<768x768xf32> to vector<768x768xbf16>
      %swap3A_615 = arith.constant 7 : index
      %swap3A_616 = arith.constant 0 : index
      %swap3A_617 = arith.constant 0 : index
      %swap3A_618 = vector.load %arg8[%swap3A_615, %swap3A_616, %swap3A_617] : memref<8x768x768xbf16, #tpu.memory_space<vmem>>, vector<1x768x768xbf16>
      %swap3A_619 = vector.shape_cast %swap3A_618 : vector<1x768x768xbf16> to vector<768x768xbf16>
      %swap3A_620 = vector.shape_cast %convert_element_type3A_614 : vector<768x768xbf16> to vector<1x768x768xbf16>
      tpu.vector_store %arg8[%swap3A_615, %swap3A_616, %swap3A_617], %swap3A_620 {strides = array<i32>} : memref<8x768x768xbf16, #tpu.memory_space<vmem>>, vector<1x768x768xbf16>,
    } else {
    }
    %mul3A = arith.constant 8 : i32
    %mul3A_2 = arith.muli %arg0, %mul3A : i32
    %add3A = arith.constant 0 : i32
    %add3A_3 = arith.addi %mul3A_2, %add3A : i32
    %get3A = arith.index_cast %add3A_3 : i32 to index
    %get3A_4 = arith.constant 2 : index
    %get3A_5 = memref.load %arg1[%get3A, %get3A_4] : memref<32x16xf32, #tpu.memory_space<smem>>
    %convert_element_type3A_6 = arith.fptosi %get3A_5 : f32 to i32
    %get3A_7 = arith.index_cast %add3A_3 : i32 to index
    %get3A_8 = arith.constant 3 : index
    %get3A_9 = memref.load %arg1[%get3A_7, %get3A_8] : memref<32x16xf32, #tpu.memory_space<smem>>
    %convert_element_type3A_10 = arith.fptosi %get3A_9 : f32 to i32
    %get3A_11 = arith.constant 0 : index
    %get3A_12 = arith.index_cast %convert_element_type3A_6 : i32 to index
    %get3A_13 = arith.constant 0 : index
    %get3A_14 = arith.constant 0 : index
    %get3A_15 = vector.load %arg2[%get3A_11, %get3A_12, %get3A_13, %get3A_14] : memref<1x12x257x768xf32, #tpu.memory_space<vmem>>, vector<1x1x257x768xf32>
    %get3A_16 = vector.shape_cast %get3A_15 : vector<1x1x257x768xf32> to vector<1x257x768xf32>
    %squeeze3A = vector.shape_cast %get3A_16 : vector<1x257x768xf32> to vector<257x768xf32>
    %get3A_17 = arith.constant 0 : index
    %get3A_18 = arith.index_cast %convert_element_type3A_10 : i32 to index
    %get3A_19 = arith.constant 0 : index
    %get3A_20 = arith.constant 0 : index
    %get3A_21 = vector.load %arg2[%get3A_17, %get3A_18, %get3A_19, %get3A_20] : memref<1x12x257x768xf32, #tpu.memory_space<vmem>>, vector<1x1x257x768xf32>
    %get3A_22 = vector.shape_cast %get3A_21 : vector<1x1x257x768xf32> to vector<1x257x768xf32>
    %squeeze3A_23 = vector.shape_cast %get3A_22 : vector<1x257x768xf32> to vector<257x768xf32>
    %get3A_24 = arith.index_cast %add3A_3 : i32 to index
    %get3A_25 = arith.constant 0 : index
    %get3A_26 = memref.load %arg1[%get3A_24, %get3A_25] : memref<32x16xf32, #tpu.memory_space<smem>>
    %mul3A_27 = vector.broadcast %get3A_26 : f32 to vector<257x768xf32>
    %mul3A_28 = arith.mulf %mul3A_27, %squeeze3A : vector<257x768xf32>
    %get3A_29 = arith.index_cast %add3A_3 : i32 to index
    %get3A_30 = arith.constant 1 : index
    %get3A_31 = memref.load %arg1[%get3A_29, %get3A_30] : memref<32x16xf32, #tpu.memory_space<smem>>
    %mul3A_32 = vector.broadcast %get3A_31 : f32 to vector<257x768xf32>
    %mul3A_33 = arith.mulf %mul3A_32, %squeeze3A_23 : vector<257x768xf32>
    %add3A_34 = arith.addf %mul3A_28, %mul3A_33 : vector<257x768xf32>
    %convert_element_type3A_35 = arith.truncf %add3A_34 : vector<257x768xf32> to vector<257x768xbf16>
    %get3A_36 = arith.constant 0 : index
    %get3A_37 = arith.constant 0 : index
    %get3A_38 = arith.constant 0 : index
    %get3A_39 = vector.load %arg8[%get3A_36, %get3A_37, %get3A_38] : memref<8x768x768xbf16, #tpu.memory_space<vmem>>, vector<1x768x768xbf16>
    %get3A_40 = vector.shape_cast %get3A_39 : vector<1x768x768xbf16> to vector<768x768xbf16>
    %dot_general3A = arith.constant dense<0.000000e+00> : vector<257x768xf32>
    %dot_general3A_41 = tpu.matmul %convert_element_type3A_35, %get3A_40, %dot_general3A {dimension_numbers = #tpu.dot_dimension_numbers<[1], [0], [0], [1], [0, 0, 1, 1], [], []>, transpose_lhs_hint = false} : vector<257x768xbf16>, vector<768x768xbf16>, vector<257x768xf32> -> vector<257x768xf32>
    %get3A_42 = arith.constant 0 : index
    %get3A_43 = arith.constant 0 : index
    %get3A_44 = arith.constant 0 : index
    %get3A_45 = vector.load %arg4[%get3A_42, %get3A_43, %get3A_44] : memref<8x1x768xf32, #tpu.memory_space<vmem>>, vector<1x1x768xf32>
    %get3A_46 = vector.shape_cast %get3A_45 : vector<1x1x768xf32> to vector<1x768xf32>
    %add3A_47 = vector.broadcast %get3A_46 : vector<1x768xf32> to vector<257x768xf32>
    %add3A_48 = arith.addf %dot_general3A_41, %add3A_47 : vector<257x768xf32>
    %max3A = arith.constant 0.000000e+00 : f32
    %max3A_49 = vector.broadcast %max3A : f32 to vector<257x768xf32>
    %max3A_50 = arith.maximumf %add3A_48, %max3A_49 : vector<257x768xf32>
    %convert_element_type3A_51 = arith.truncf %max3A_50 : vector<257x768xf32> to vector<257x768xbf16>
    %get3A_52 = arith.constant 0 : index
    %get3A_53 = arith.constant 0 : index
    %get3A_54 = arith.constant 0 : index
    %get3A_55 = vector.load %arg5[%get3A_52, %get3A_53, %get3A_54] : memref<8x768x21xbf16, #tpu.memory_space<vmem>>, vector<1x768x21xbf16>
    %get3A_56 = vector.shape_cast %get3A_55 : vector<1x768x21xbf16> to vector<768x21xbf16>
    %dot_general3A_57 = arith.constant dense<0.000000e+00> : vector<257x21xf32>
    %dot_general3A_58 = tpu.matmul %convert_element_type3A_51, %get3A_56, %dot_general3A_57 {dimension_numbers = #tpu.dot_dimension_numbers<[1], [0], [0], [1], [0, 0, 1, 1], [], []>, transpose_lhs_hint = false} : vector<257x768xbf16>, vector<768x21xbf16>, vector<257x21xf32> -> vector<257x21xf32>
    %mul3A_59 = arith.constant 8 : i32
    %mul3A_60 = arith.muli %arg0, %mul3A_59 : i32
    %add3A_61 = arith.constant 1 : i32
    %add3A_62 = arith.addi %mul3A_60, %add3A_61 : i32
    %get3A_63 = arith.index_cast %add3A_62 : i32 to index
    %get3A_64 = arith.constant 2 : index
    %get3A_65 = memref.load %arg1[%get3A_63, %get3A_64] : memref<32x16xf32, #tpu.memory_space<smem>>
    %convert_element_type3A_66 = arith.fptosi %get3A_65 : f32 to i32
    %get3A_67 = arith.index_cast %add3A_62 : i32 to index
    %get3A_68 = arith.constant 3 : index
    %get3A_69 = memref.load %arg1[%get3A_67, %get3A_68] : memref<32x16xf32, #tpu.memory_space<smem>>
    %convert_element_type3A_70 = arith.fptosi %get3A_69 : f32 to i32
    %get3A_71 = arith.constant 0 : index
    %get3A_72 = arith.index_cast %convert_element_type3A_66 : i32 to index
    %get3A_73 = arith.constant 0 : index
    %get3A_74 = arith.constant 0 : index
    %get3A_75 = vector.load %arg2[%get3A_71, %get3A_72, %get3A_73, %get3A_74] : memref<1x12x257x768xf32, #tpu.memory_space<vmem>>, vector<1x1x257x768xf32>
    %get3A_76 = vector.shape_cast %get3A_75 : vector<1x1x257x768xf32> to vector<1x257x768xf32>
    %squeeze3A_77 = vector.shape_cast %get3A_76 : vector<1x257x768xf32> to vector<257x768xf32>
    %get3A_78 = arith.constant 0 : index
    %get3A_79 = arith.index_cast %convert_element_type3A_70 : i32 to index
    %get3A_80 = arith.constant 0 : index
    %get3A_81 = arith.constant 0 : index
    %get3A_82 = vector.load %arg2[%get3A_78, %get3A_79, %get3A_80, %get3A_81] : memref<1x12x257x768xf32, #tpu.memory_space<vmem>>, vector<1x1x257x768xf32>
    %get3A_83 = vector.shape_cast %get3A_82 : vector<1x1x257x768xf32> to vector<1x257x768xf32>
    %squeeze3A_84 = vector.shape_cast %get3A_83 : vector<1x257x768xf32> to vector<257x768xf32>
    %get3A_85 = arith.index_cast %add3A_62 : i32 to index
    %get3A_86 = arith.constant 0 : index
    %get3A_87 = memref.load %arg1[%get3A_85, %get3A_86] : memref<32x16xf32, #tpu.memory_space<smem>>
    %mul3A_88 = vector.broadcast %get3A_87 : f32 to vector<257x768xf32>
    %mul3A_89 = arith.mulf %mul3A_88, %squeeze3A_77 : vector<257x768xf32>
    %get3A_90 = arith.index_cast %add3A_62 : i32 to index
    %get3A_91 = arith.constant 1 : index
    %get3A_92 = memref.load %arg1[%get3A_90, %get3A_91] : memref<32x16xf32, #tpu.memory_space<smem>>
    %mul3A_93 = vector.broadcast %get3A_92 : f32 to vector<257x768xf32>
    %mul3A_94 = arith.mulf %mul3A_93, %squeeze3A_84 : vector<257x768xf32>
    %add3A_95 = arith.addf %mul3A_89, %mul3A_94 : vector<257x768xf32>
    %convert_element_type3A_96 = arith.truncf %add3A_95 : vector<257x768xf32> to vector<257x768xbf16>
    %get3A_97 = arith.constant 1 : index
    %get3A_98 = arith.constant 0 : index
    %get3A_99 = arith.constant 0 : index
    %get3A_100 = vector.load %arg8[%get3A_97, %get3A_98, %get3A_99] : memref<8x768x768xbf16, #tpu.memory_space<vmem>>, vector<1x768x768xbf16>
    %get3A_101 = vector.shape_cast %get3A_100 : vector<1x768x768xbf16> to vector<768x768xbf16>
    %dot_general3A_102 = arith.constant dense<0.000000e+00> : vector<257x768xf32>
    %dot_general3A_103 = tpu.matmul %convert_element_type3A_96, %get3A_101, %dot_general3A_102 {dimension_numbers = #tpu.dot_dimension_numbers<[1], [0], [0], [1], [0, 0, 1, 1], [], []>, transpose_lhs_hint = false} : vector<257x768xbf16>, vector<768x768xbf16>, vector<257x768xf32> -> vector<257x768xf32>
    %get3A_104 = arith.constant 1 : index
    %get3A_105 = arith.constant 0 : index
    %get3A_106 = arith.constant 0 : index
    %get3A_107 = vector.load %arg4[%get3A_104, %get3A_105, %get3A_106] : memref<8x1x768xf32, #tpu.memory_space<vmem>>, vector<1x1x768xf32>
    %get3A_108 = vector.shape_cast %get3A_107 : vector<1x1x768xf32> to vector<1x768xf32>
    %add3A_109 = vector.broadcast %get3A_108 : vector<1x768xf32> to vector<257x768xf32>
    %add3A_110 = arith.addf %dot_general3A_103, %add3A_109 : vector<257x768xf32>
    %max3A_111 = arith.constant 0.000000e+00 : f32
    %max3A_112 = vector.broadcast %max3A_111 : f32 to vector<257x768xf32>
    %max3A_113 = arith.maximumf %add3A_110, %max3A_112 : vector<257x768xf32>
    %convert_element_type3A_114 = arith.truncf %max3A_113 : vector<257x768xf32> to vector<257x768xbf16>
    %get3A_115 = arith.constant 1 : index
    %get3A_116 = arith.constant 0 : index
    %get3A_117 = arith.constant 0 : index
    %get3A_118 = vector.load %arg5[%get3A_115, %get3A_116, %get3A_117] : memref<8x768x21xbf16, #tpu.memory_space<vmem>>, vector<1x768x21xbf16>
    %get3A_119 = vector.shape_cast %get3A_118 : vector<1x768x21xbf16> to vector<768x21xbf16>
    %dot_general3A_120 = arith.constant dense<0.000000e+00> : vector<257x21xf32>
    %dot_general3A_121 = tpu.matmul %convert_element_type3A_114, %get3A_119, %dot_general3A_120 {dimension_numbers = #tpu.dot_dimension_numbers<[1], [0], [0], [1], [0, 0, 1, 1], [], []>, transpose_lhs_hint = false} : vector<257x768xbf16>, vector<768x21xbf16>, vector<257x21xf32> -> vector<257x21xf32>
    %add3A_122 = arith.addf %dot_general3A_58, %dot_general3A_121 : vector<257x21xf32>
    %mul3A_123 = arith.constant 8 : i32
    %mul3A_124 = arith.muli %arg0, %mul3A_123 : i32
    %add3A_125 = arith.constant 2 : i32
    %add3A_126 = arith.addi %mul3A_124, %add3A_125 : i32
    %get3A_127 = arith.index_cast %add3A_126 : i32 to index
    %get3A_128 = arith.constant 2 : index
    %get3A_129 = memref.load %arg1[%get3A_127, %get3A_128] : memref<32x16xf32, #tpu.memory_space<smem>>
    %convert_element_type3A_130 = arith.fptosi %get3A_129 : f32 to i32
    %get3A_131 = arith.index_cast %add3A_126 : i32 to index
    %get3A_132 = arith.constant 3 : index
    %get3A_133 = memref.load %arg1[%get3A_131, %get3A_132] : memref<32x16xf32, #tpu.memory_space<smem>>
    %convert_element_type3A_134 = arith.fptosi %get3A_133 : f32 to i32
    %get3A_135 = arith.constant 0 : index
    %get3A_136 = arith.index_cast %convert_element_type3A_130 : i32 to index
    %get3A_137 = arith.constant 0 : index
    %get3A_138 = arith.constant 0 : index
    %get3A_139 = vector.load %arg2[%get3A_135, %get3A_136, %get3A_137, %get3A_138] : memref<1x12x257x768xf32, #tpu.memory_space<vmem>>, vector<1x1x257x768xf32>
    %get3A_140 = vector.shape_cast %get3A_139 : vector<1x1x257x768xf32> to vector<1x257x768xf32>
    %squeeze3A_141 = vector.shape_cast %get3A_140 : vector<1x257x768xf32> to vector<257x768xf32>
    %get3A_142 = arith.constant 0 : index
    %get3A_143 = arith.index_cast %convert_element_type3A_134 : i32 to index
    %get3A_144 = arith.constant 0 : index
    %get3A_145 = arith.constant 0 : index
    %get3A_146 = vector.load %arg2[%get3A_142, %get3A_143, %get3A_144, %get3A_145] : memref<1x12x257x768xf32, #tpu.memory_space<vmem>>, vector<1x1x257x768xf32>
    %get3A_147 = vector.shape_cast %get3A_146 : vector<1x1x257x768xf32> to vector<1x257x768xf32>
    %squeeze3A_148 = vector.shape_cast %get3A_147 : vector<1x257x768xf32> to vector<257x768xf32>
    %get3A_149 = arith.index_cast %add3A_126 : i32 to index
    %get3A_150 = arith.constant 0 : index
    %get3A_151 = memref.load %arg1[%get3A_149, %get3A_150] : memref<32x16xf32, #tpu.memory_space<smem>>
    %mul3A_152 = vector.broadcast %get3A_151 : f32 to vector<257x768xf32>
    %mul3A_153 = arith.mulf %mul3A_152, %squeeze3A_141 : vector<257x768xf32>
    %get3A_154 = arith.index_cast %add3A_126 : i32 to index
    %get3A_155 = arith.constant 1 : index
    %get3A_156 = memref.load %arg1[%get3A_154, %get3A_155] : memref<32x16xf32, #tpu.memory_space<smem>>
    %mul3A_157 = vector.broadcast %get3A_156 : f32 to vector<257x768xf32>
    %mul3A_158 = arith.mulf %mul3A_157, %squeeze3A_148 : vector<257x768xf32>
    %add3A_159 = arith.addf %mul3A_153, %mul3A_158 : vector<257x768xf32>
    %convert_element_type3A_160 = arith.truncf %add3A_159 : vector<257x768xf32> to vector<257x768xbf16>
    %get3A_161 = arith.constant 2 : index
    %get3A_162 = arith.constant 0 : index
    %get3A_163 = arith.constant 0 : index
    %get3A_164 = vector.load %arg8[%get3A_161, %get3A_162, %get3A_163] : memref<8x768x768xbf16, #tpu.memory_space<vmem>>, vector<1x768x768xbf16>
    %get3A_165 = vector.shape_cast %get3A_164 : vector<1x768x768xbf16> to vector<768x768xbf16>
    %dot_general3A_166 = arith.constant dense<0.000000e+00> : vector<257x768xf32>
    %dot_general3A_167 = tpu.matmul %convert_element_type3A_160, %get3A_165, %dot_general3A_166 {dimension_numbers = #tpu.dot_dimension_numbers<[1], [0], [0], [1], [0, 0, 1, 1], [], []>, transpose_lhs_hint = false} : vector<257x768xbf16>, vector<768x768xbf16>, vector<257x768xf32> -> vector<257x768xf32>
    %get3A_168 = arith.constant 2 : index
    %get3A_169 = arith.constant 0 : index
    %get3A_170 = arith.constant 0 : index
    %get3A_171 = vector.load %arg4[%get3A_168, %get3A_169, %get3A_170] : memref<8x1x768xf32, #tpu.memory_space<vmem>>, vector<1x1x768xf32>
    %get3A_172 = vector.shape_cast %get3A_171 : vector<1x1x768xf32> to vector<1x768xf32>
    %add3A_173 = vector.broadcast %get3A_172 : vector<1x768xf32> to vector<257x768xf32>
    %add3A_174 = arith.addf %dot_general3A_167, %add3A_173 : vector<257x768xf32>
    %max3A_175 = arith.constant 0.000000e+00 : f32
    %max3A_176 = vector.broadcast %max3A_175 : f32 to vector<257x768xf32>
    %max3A_177 = arith.maximumf %add3A_174, %max3A_176 : vector<257x768xf32>
    %convert_element_type3A_178 = arith.truncf %max3A_177 : vector<257x768xf32> to vector<257x768xbf16>
    %get3A_179 = arith.constant 2 : index
    %get3A_180 = arith.constant 0 : index
    %get3A_181 = arith.constant 0 : index
    %get3A_182 = vector.load %arg5[%get3A_179, %get3A_180, %get3A_181] : memref<8x768x21xbf16, #tpu.memory_space<vmem>>, vector<1x768x21xbf16>
    %get3A_183 = vector.shape_cast %get3A_182 : vector<1x768x21xbf16> to vector<768x21xbf16>
    %dot_general3A_184 = arith.constant dense<0.000000e+00> : vector<257x21xf32>
    %dot_general3A_185 = tpu.matmul %convert_element_type3A_178, %get3A_183, %dot_general3A_184 {dimension_numbers = #tpu.dot_dimension_numbers<[1], [0], [0], [1], [0, 0, 1, 1], [], []>, transpose_lhs_hint = false} : vector<257x768xbf16>, vector<768x21xbf16>, vector<257x21xf32> -> vector<257x21xf32>
    %add3A_186 = arith.addf %add3A_122, %dot_general3A_185 : vector<257x21xf32>
    %mul3A_187 = arith.constant 8 : i32
    %mul3A_188 = arith.muli %arg0, %mul3A_187 : i32
    %add3A_189 = arith.constant 3 : i32
    %add3A_190 = arith.addi %mul3A_188, %add3A_189 : i32
    %get3A_191 = arith.index_cast %add3A_190 : i32 to index
    %get3A_192 = arith.constant 2 : index
    %get3A_193 = memref.load %arg1[%get3A_191, %get3A_192] : memref<32x16xf32, #tpu.memory_space<smem>>
    %convert_element_type3A_194 = arith.fptosi %get3A_193 : f32 to i32
    %get3A_195 = arith.index_cast %add3A_190 : i32 to index
    %get3A_196 = arith.constant 3 : index
    %get3A_197 = memref.load %arg1[%get3A_195, %get3A_196] : memref<32x16xf32, #tpu.memory_space<smem>>
    %convert_element_type3A_198 = arith.fptosi %get3A_197 : f32 to i32
    %get3A_199 = arith.constant 0 : index
    %get3A_200 = arith.index_cast %convert_element_type3A_194 : i32 to index
    %get3A_201 = arith.constant 0 : index
    %get3A_202 = arith.constant 0 : index
    %get3A_203 = vector.load %arg2[%get3A_199, %get3A_200, %get3A_201, %get3A_202] : memref<1x12x257x768xf32, #tpu.memory_space<vmem>>, vector<1x1x257x768xf32>
    %get3A_204 = vector.shape_cast %get3A_203 : vector<1x1x257x768xf32> to vector<1x257x768xf32>
    %squeeze3A_205 = vector.shape_cast %get3A_204 : vector<1x257x768xf32> to vector<257x768xf32>
    %get3A_206 = arith.constant 0 : index
    %get3A_207 = arith.index_cast %convert_element_type3A_198 : i32 to index
    %get3A_208 = arith.constant 0 : index
    %get3A_209 = arith.constant 0 : index
    %get3A_210 = vector.load %arg2[%get3A_206, %get3A_207, %get3A_208, %get3A_209] : memref<1x12x257x768xf32, #tpu.memory_space<vmem>>, vector<1x1x257x768xf32>
    %get3A_211 = vector.shape_cast %get3A_210 : vector<1x1x257x768xf32> to vector<1x257x768xf32>
    %squeeze3A_212 = vector.shape_cast %get3A_211 : vector<1x257x768xf32> to vector<257x768xf32>
    %get3A_213 = arith.index_cast %add3A_190 : i32 to index
    %get3A_214 = arith.constant 0 : index
    %get3A_215 = memref.load %arg1[%get3A_213, %get3A_214] : memref<32x16xf32, #tpu.memory_space<smem>>
    %mul3A_216 = vector.broadcast %get3A_215 : f32 to vector<257x768xf32>
    %mul3A_217 = arith.mulf %mul3A_216, %squeeze3A_205 : vector<257x768xf32>
    %get3A_218 = arith.index_cast %add3A_190 : i32 to index
    %get3A_219 = arith.constant 1 : index
    %get3A_220 = memref.load %arg1[%get3A_218, %get3A_219] : memref<32x16xf32, #tpu.memory_space<smem>>
    %mul3A_221 = vector.broadcast %get3A_220 : f32 to vector<257x768xf32>
    %mul3A_222 = arith.mulf %mul3A_221, %squeeze3A_212 : vector<257x768xf32>
    %add3A_223 = arith.addf %mul3A_217, %mul3A_222 : vector<257x768xf32>
    %convert_element_type3A_224 = arith.truncf %add3A_223 : vector<257x768xf32> to vector<257x768xbf16>
    %get3A_225 = arith.constant 3 : index
    %get3A_226 = arith.constant 0 : index
    %get3A_227 = arith.constant 0 : index
    %get3A_228 = vector.load %arg8[%get3A_225, %get3A_226, %get3A_227] : memref<8x768x768xbf16, #tpu.memory_space<vmem>>, vector<1x768x768xbf16>
    %get3A_229 = vector.shape_cast %get3A_228 : vector<1x768x768xbf16> to vector<768x768xbf16>
    %dot_general3A_230 = arith.constant dense<0.000000e+00> : vector<257x768xf32>
    %dot_general3A_231 = tpu.matmul %convert_element_type3A_224, %get3A_229, %dot_general3A_230 {dimension_numbers = #tpu.dot_dimension_numbers<[1], [0], [0], [1], [0, 0, 1, 1], [], []>, transpose_lhs_hint = false} : vector<257x768xbf16>, vector<768x768xbf16>, vector<257x768xf32> -> vector<257x768xf32>
    %get3A_232 = arith.constant 3 : index
    %get3A_233 = arith.constant 0 : index
    %get3A_234 = arith.constant 0 : index
    %get3A_235 = vector.load %arg4[%get3A_232, %get3A_233, %get3A_234] : memref<8x1x768xf32, #tpu.memory_space<vmem>>, vector<1x1x768xf32>
    %get3A_236 = vector.shape_cast %get3A_235 : vector<1x1x768xf32> to vector<1x768xf32>
    %add3A_237 = vector.broadcast %get3A_236 : vector<1x768xf32> to vector<257x768xf32>
    %add3A_238 = arith.addf %dot_general3A_231, %add3A_237 : vector<257x768xf32>
    %max3A_239 = arith.constant 0.000000e+00 : f32
    %max3A_240 = vector.broadcast %max3A_239 : f32 to vector<257x768xf32>
    %max3A_241 = arith.maximumf %add3A_238, %max3A_240 : vector<257x768xf32>
    %convert_element_type3A_242 = arith.truncf %max3A_241 : vector<257x768xf32> to vector<257x768xbf16>
    %get3A_243 = arith.constant 3 : index
    %get3A_244 = arith.constant 0 : index
    %get3A_245 = arith.constant 0 : index
    %get3A_246 = vector.load %arg5[%get3A_243, %get3A_244, %get3A_245] : memref<8x768x21xbf16, #tpu.memory_space<vmem>>, vector<1x768x21xbf16>
    %get3A_247 = vector.shape_cast %get3A_246 : vector<1x768x21xbf16> to vector<768x21xbf16>
    %dot_general3A_248 = arith.constant dense<0.000000e+00> : vector<257x21xf32>
    %dot_general3A_249 = tpu.matmul %convert_element_type3A_242, %get3A_247, %dot_general3A_248 {dimension_numbers = #tpu.dot_dimension_numbers<[1], [0], [0], [1], [0, 0, 1, 1], [], []>, transpose_lhs_hint = false} : vector<257x768xbf16>, vector<768x21xbf16>, vector<257x21xf32> -> vector<257x21xf32>
    %add3A_250 = arith.addf %add3A_186, %dot_general3A_249 : vector<257x21xf32>
    %mul3A_251 = arith.constant 8 : i32
    %mul3A_252 = arith.muli %arg0, %mul3A_251 : i32
    %add3A_253 = arith.constant 4 : i32
    %add3A_254 = arith.addi %mul3A_252, %add3A_253 : i32
    %get3A_255 = arith.index_cast %add3A_254 : i32 to index
    %get3A_256 = arith.constant 2 : index
    %get3A_257 = memref.load %arg1[%get3A_255, %get3A_256] : memref<32x16xf32, #tpu.memory_space<smem>>
    %convert_element_type3A_258 = arith.fptosi %get3A_257 : f32 to i32
    %get3A_259 = arith.index_cast %add3A_254 : i32 to index
    %get3A_260 = arith.constant 3 : index
    %get3A_261 = memref.load %arg1[%get3A_259, %get3A_260] : memref<32x16xf32, #tpu.memory_space<smem>>
    %convert_element_type3A_262 = arith.fptosi %get3A_261 : f32 to i32
    %get3A_263 = arith.constant 0 : index
    %get3A_264 = arith.index_cast %convert_element_type3A_258 : i32 to index
    %get3A_265 = arith.constant 0 : index
    %get3A_266 = arith.constant 0 : index
    %get3A_267 = vector.load %arg2[%get3A_263, %get3A_264, %get3A_265, %get3A_266] : memref<1x12x257x768xf32, #tpu.memory_space<vmem>>, vector<1x1x257x768xf32>
    %get3A_268 = vector.shape_cast %get3A_267 : vector<1x1x257x768xf32> to vector<1x257x768xf32>
    %squeeze3A_269 = vector.shape_cast %get3A_268 : vector<1x257x768xf32> to vector<257x768xf32>
    %get3A_270 = arith.constant 0 : index
    %get3A_271 = arith.index_cast %convert_element_type3A_262 : i32 to index
    %get3A_272 = arith.constant 0 : index
    %get3A_273 = arith.constant 0 : index
    %get3A_274 = vector.load %arg2[%get3A_270, %get3A_271, %get3A_272, %get3A_273] : memref<1x12x257x768xf32, #tpu.memory_space<vmem>>, vector<1x1x257x768xf32>
    %get3A_275 = vector.shape_cast %get3A_274 : vector<1x1x257x768xf32> to vector<1x257x768xf32>
    %squeeze3A_276 = vector.shape_cast %get3A_275 : vector<1x257x768xf32> to vector<257x768xf32>
    %get3A_277 = arith.index_cast %add3A_254 : i32 to index
    %get3A_278 = arith.constant 0 : index
    %get3A_279 = memref.load %arg1[%get3A_277, %get3A_278] : memref<32x16xf32, #tpu.memory_space<smem>>
    %mul3A_280 = vector.broadcast %get3A_279 : f32 to vector<257x768xf32>
    %mul3A_281 = arith.mulf %mul3A_280, %squeeze3A_269 : vector<257x768xf32>
    %get3A_282 = arith.index_cast %add3A_254 : i32 to index
    %get3A_283 = arith.constant 1 : index
    %get3A_284 = memref.load %arg1[%get3A_282, %get3A_283] : memref<32x16xf32, #tpu.memory_space<smem>>
    %mul3A_285 = vector.broadcast %get3A_284 : f32 to vector<257x768xf32>
    %mul3A_286 = arith.mulf %mul3A_285, %squeeze3A_276 : vector<257x768xf32>
    %add3A_287 = arith.addf %mul3A_281, %mul3A_286 : vector<257x768xf32>
    %convert_element_type3A_288 = arith.truncf %add3A_287 : vector<257x768xf32> to vector<257x768xbf16>
    %get3A_289 = arith.constant 4 : index
    %get3A_290 = arith.constant 0 : index
    %get3A_291 = arith.constant 0 : index
    %get3A_292 = vector.load %arg8[%get3A_289, %get3A_290, %get3A_291] : memref<8x768x768xbf16, #tpu.memory_space<vmem>>, vector<1x768x768xbf16>
    %get3A_293 = vector.shape_cast %get3A_292 : vector<1x768x768xbf16> to vector<768x768xbf16>
    %dot_general3A_294 = arith.constant dense<0.000000e+00> : vector<257x768xf32>
    %dot_general3A_295 = tpu.matmul %convert_element_type3A_288, %get3A_293, %dot_general3A_294 {dimension_numbers = #tpu.dot_dimension_numbers<[1], [0], [0], [1], [0, 0, 1, 1], [], []>, transpose_lhs_hint = false} : vector<257x768xbf16>, vector<768x768xbf16>, vector<257x768xf32> -> vector<257x768xf32>
    %get3A_296 = arith.constant 4 : index
    %get3A_297 = arith.constant 0 : index
    %get3A_298 = arith.constant 0 : index
    %get3A_299 = vector.load %arg4[%get3A_296, %get3A_297, %get3A_298] : memref<8x1x768xf32, #tpu.memory_space<vmem>>, vector<1x1x768xf32>
    %get3A_300 = vector.shape_cast %get3A_299 : vector<1x1x768xf32> to vector<1x768xf32>
    %add3A_301 = vector.broadcast %get3A_300 : vector<1x768xf32> to vector<257x768xf32>
    %add3A_302 = arith.addf %dot_general3A_295, %add3A_301 : vector<257x768xf32>
    %max3A_303 = arith.constant 0.000000e+00 : f32
    %max3A_304 = vector.broadcast %max3A_303 : f32 to vector<257x768xf32>
    %max3A_305 = arith.maximumf %add3A_302, %max3A_304 : vector<257x768xf32>
    %convert_element_type3A_306 = arith.truncf %max3A_305 : vector<257x768xf32> to vector<257x768xbf16>
    %get3A_307 = arith.constant 4 : index
    %get3A_308 = arith.constant 0 : index
    %get3A_309 = arith.constant 0 : index
    %get3A_310 = vector.load %arg5[%get3A_307, %get3A_308, %get3A_309] : memref<8x768x21xbf16, #tpu.memory_space<vmem>>, vector<1x768x21xbf16>
    %get3A_311 = vector.shape_cast %get3A_310 : vector<1x768x21xbf16> to vector<768x21xbf16>
    %dot_general3A_312 = arith.constant dense<0.000000e+00> : vector<257x21xf32>
    %dot_general3A_313 = tpu.matmul %convert_element_type3A_306, %get3A_311, %dot_general3A_312 {dimension_numbers = #tpu.dot_dimension_numbers<[1], [0], [0], [1], [0, 0, 1, 1], [], []>, transpose_lhs_hint = false} : vector<257x768xbf16>, vector<768x21xbf16>, vector<257x21xf32> -> vector<257x21xf32>
    %add3A_314 = arith.addf %add3A_250, %dot_general3A_313 : vector<257x21xf32>
    %mul3A_315 = arith.constant 8 : i32
    %mul3A_316 = arith.muli %arg0, %mul3A_315 : i32
    %add3A_317 = arith.constant 5 : i32
    %add3A_318 = arith.addi %mul3A_316, %add3A_317 : i32
    %get3A_319 = arith.index_cast %add3A_318 : i32 to index
    %get3A_320 = arith.constant 2 : index
    %get3A_321 = memref.load %arg1[%get3A_319, %get3A_320] : memref<32x16xf32, #tpu.memory_space<smem>>
    %convert_element_type3A_322 = arith.fptosi %get3A_321 : f32 to i32
    %get3A_323 = arith.index_cast %add3A_318 : i32 to index
    %get3A_324 = arith.constant 3 : index
    %get3A_325 = memref.load %arg1[%get3A_323, %get3A_324] : memref<32x16xf32, #tpu.memory_space<smem>>
    %convert_element_type3A_326 = arith.fptosi %get3A_325 : f32 to i32
    %get3A_327 = arith.constant 0 : index
    %get3A_328 = arith.index_cast %convert_element_type3A_322 : i32 to index
    %get3A_329 = arith.constant 0 : index
    %get3A_330 = arith.constant 0 : index
    %get3A_331 = vector.load %arg2[%get3A_327, %get3A_328, %get3A_329, %get3A_330] : memref<1x12x257x768xf32, #tpu.memory_space<vmem>>, vector<1x1x257x768xf32>
    %get3A_332 = vector.shape_cast %get3A_331 : vector<1x1x257x768xf32> to vector<1x257x768xf32>
    %squeeze3A_333 = vector.shape_cast %get3A_332 : vector<1x257x768xf32> to vector<257x768xf32>
    %get3A_334 = arith.constant 0 : index
    %get3A_335 = arith.index_cast %convert_element_type3A_326 : i32 to index
    %get3A_336 = arith.constant 0 : index
    %get3A_337 = arith.constant 0 : index
    %get3A_338 = vector.load %arg2[%get3A_334, %get3A_335, %get3A_336, %get3A_337] : memref<1x12x257x768xf32, #tpu.memory_space<vmem>>, vector<1x1x257x768xf32>
    %get3A_339 = vector.shape_cast %get3A_338 : vector<1x1x257x768xf32> to vector<1x257x768xf32>
    %squeeze3A_340 = vector.shape_cast %get3A_339 : vector<1x257x768xf32> to vector<257x768xf32>
    %get3A_341 = arith.index_cast %add3A_318 : i32 to index
    %get3A_342 = arith.constant 0 : index
    %get3A_343 = memref.load %arg1[%get3A_341, %get3A_342] : memref<32x16xf32, #tpu.memory_space<smem>>
    %mul3A_344 = vector.broadcast %get3A_343 : f32 to vector<257x768xf32>
    %mul3A_345 = arith.mulf %mul3A_344, %squeeze3A_333 : vector<257x768xf32>
    %get3A_346 = arith.index_cast %add3A_318 : i32 to index
    %get3A_347 = arith.constant 1 : index
    %get3A_348 = memref.load %arg1[%get3A_346, %get3A_347] : memref<32x16xf32, #tpu.memory_space<smem>>
    %mul3A_349 = vector.broadcast %get3A_348 : f32 to vector<257x768xf32>
    %mul3A_350 = arith.mulf %mul3A_349, %squeeze3A_340 : vector<257x768xf32>
    %add3A_351 = arith.addf %mul3A_345, %mul3A_350 : vector<257x768xf32>
    %convert_element_type3A_352 = arith.truncf %add3A_351 : vector<257x768xf32> to vector<257x768xbf16>
    %get3A_353 = arith.constant 5 : index
    %get3A_354 = arith.constant 0 : index
    %get3A_355 = arith.constant 0 : index
    %get3A_356 = vector.load %arg8[%get3A_353, %get3A_354, %get3A_355] : memref<8x768x768xbf16, #tpu.memory_space<vmem>>, vector<1x768x768xbf16>
    %get3A_357 = vector.shape_cast %get3A_356 : vector<1x768x768xbf16> to vector<768x768xbf16>
    %dot_general3A_358 = arith.constant dense<0.000000e+00> : vector<257x768xf32>
    %dot_general3A_359 = tpu.matmul %convert_element_type3A_352, %get3A_357, %dot_general3A_358 {dimension_numbers = #tpu.dot_dimension_numbers<[1], [0], [0], [1], [0, 0, 1, 1], [], []>, transpose_lhs_hint = false} : vector<257x768xbf16>, vector<768x768xbf16>, vector<257x768xf32> -> vector<257x768xf32>
    %get3A_360 = arith.constant 5 : index
    %get3A_361 = arith.constant 0 : index
    %get3A_362 = arith.constant 0 : index
    %get3A_363 = vector.load %arg4[%get3A_360, %get3A_361, %get3A_362] : memref<8x1x768xf32, #tpu.memory_space<vmem>>, vector<1x1x768xf32>
    %get3A_364 = vector.shape_cast %get3A_363 : vector<1x1x768xf32> to vector<1x768xf32>
    %add3A_365 = vector.broadcast %get3A_364 : vector<1x768xf32> to vector<257x768xf32>
    %add3A_366 = arith.addf %dot_general3A_359, %add3A_365 : vector<257x768xf32>
    %max3A_367 = arith.constant 0.000000e+00 : f32
    %max3A_368 = vector.broadcast %max3A_367 : f32 to vector<257x768xf32>
    %max3A_369 = arith.maximumf %add3A_366, %max3A_368 : vector<257x768xf32>
    %convert_element_type3A_370 = arith.truncf %max3A_369 : vector<257x768xf32> to vector<257x768xbf16>
    %get3A_371 = arith.constant 5 : index
    %get3A_372 = arith.constant 0 : index
    %get3A_373 = arith.constant 0 : index
    %get3A_374 = vector.load %arg5[%get3A_371, %get3A_372, %get3A_373] : memref<8x768x21xbf16, #tpu.memory_space<vmem>>, vector<1x768x21xbf16>
    %get3A_375 = vector.shape_cast %get3A_374 : vector<1x768x21xbf16> to vector<768x21xbf16>
    %dot_general3A_376 = arith.constant dense<0.000000e+00> : vector<257x21xf32>
    %dot_general3A_377 = tpu.matmul %convert_element_type3A_370, %get3A_375, %dot_general3A_376 {dimension_numbers = #tpu.dot_dimension_numbers<[1], [0], [0], [1], [0, 0, 1, 1], [], []>, transpose_lhs_hint = false} : vector<257x768xbf16>, vector<768x21xbf16>, vector<257x21xf32> -> vector<257x21xf32>
    %add3A_378 = arith.addf %add3A_314, %dot_general3A_377 : vector<257x21xf32>
    %mul3A_379 = arith.constant 8 : i32
    %mul3A_380 = arith.muli %arg0, %mul3A_379 : i32
    %add3A_381 = arith.constant 6 : i32
    %add3A_382 = arith.addi %mul3A_380, %add3A_381 : i32
    %get3A_383 = arith.index_cast %add3A_382 : i32 to index
    %get3A_384 = arith.constant 2 : index
    %get3A_385 = memref.load %arg1[%get3A_383, %get3A_384] : memref<32x16xf32, #tpu.memory_space<smem>>
    %convert_element_type3A_386 = arith.fptosi %get3A_385 : f32 to i32
    %get3A_387 = arith.index_cast %add3A_382 : i32 to index
    %get3A_388 = arith.constant 3 : index
    %get3A_389 = memref.load %arg1[%get3A_387, %get3A_388] : memref<32x16xf32, #tpu.memory_space<smem>>
    %convert_element_type3A_390 = arith.fptosi %get3A_389 : f32 to i32
    %get3A_391 = arith.constant 0 : index
    %get3A_392 = arith.index_cast %convert_element_type3A_386 : i32 to index
    %get3A_393 = arith.constant 0 : index
    %get3A_394 = arith.constant 0 : index
    %get3A_395 = vector.load %arg2[%get3A_391, %get3A_392, %get3A_393, %get3A_394] : memref<1x12x257x768xf32, #tpu.memory_space<vmem>>, vector<1x1x257x768xf32>
    %get3A_396 = vector.shape_cast %get3A_395 : vector<1x1x257x768xf32> to vector<1x257x768xf32>
    %squeeze3A_397 = vector.shape_cast %get3A_396 : vector<1x257x768xf32> to vector<257x768xf32>
    %get3A_398 = arith.constant 0 : index
    %get3A_399 = arith.index_cast %convert_element_type3A_390 : i32 to index
    %get3A_400 = arith.constant 0 : index
    %get3A_401 = arith.constant 0 : index
    %get3A_402 = vector.load %arg2[%get3A_398, %get3A_399, %get3A_400, %get3A_401] : memref<1x12x257x768xf32, #tpu.memory_space<vmem>>, vector<1x1x257x768xf32>
    %get3A_403 = vector.shape_cast %get3A_402 : vector<1x1x257x768xf32> to vector<1x257x768xf32>
    %squeeze3A_404 = vector.shape_cast %get3A_403 : vector<1x257x768xf32> to vector<257x768xf32>
    %get3A_405 = arith.index_cast %add3A_382 : i32 to index
    %get3A_406 = arith.constant 0 : index
    %get3A_407 = memref.load %arg1[%get3A_405, %get3A_406] : memref<32x16xf32, #tpu.memory_space<smem>>
    %mul3A_408 = vector.broadcast %get3A_407 : f32 to vector<257x768xf32>
    %mul3A_409 = arith.mulf %mul3A_408, %squeeze3A_397 : vector<257x768xf32>
    %get3A_410 = arith.index_cast %add3A_382 : i32 to index
    %get3A_411 = arith.constant 1 : index
    %get3A_412 = memref.load %arg1[%get3A_410, %get3A_411] : memref<32x16xf32, #tpu.memory_space<smem>>
    %mul3A_413 = vector.broadcast %get3A_412 : f32 to vector<257x768xf32>
    %mul3A_414 = arith.mulf %mul3A_413, %squeeze3A_404 : vector<257x768xf32>
    %add3A_415 = arith.addf %mul3A_409, %mul3A_414 : vector<257x768xf32>
    %convert_element_type3A_416 = arith.truncf %add3A_415 : vector<257x768xf32> to vector<257x768xbf16>
    %get3A_417 = arith.constant 6 : index
    %get3A_418 = arith.constant 0 : index
    %get3A_419 = arith.constant 0 : index
    %get3A_420 = vector.load %arg8[%get3A_417, %get3A_418, %get3A_419] : memref<8x768x768xbf16, #tpu.memory_space<vmem>>, vector<1x768x768xbf16>
    %get3A_421 = vector.shape_cast %get3A_420 : vector<1x768x768xbf16> to vector<768x768xbf16>
    %dot_general3A_422 = arith.constant dense<0.000000e+00> : vector<257x768xf32>
    %dot_general3A_423 = tpu.matmul %convert_element_type3A_416, %get3A_421, %dot_general3A_422 {dimension_numbers = #tpu.dot_dimension_numbers<[1], [0], [0], [1], [0, 0, 1, 1], [], []>, transpose_lhs_hint = false} : vector<257x768xbf16>, vector<768x768xbf16>, vector<257x768xf32> -> vector<257x768xf32>
    %get3A_424 = arith.constant 6 : index
    %get3A_425 = arith.constant 0 : index
    %get3A_426 = arith.constant 0 : index
    %get3A_427 = vector.load %arg4[%get3A_424, %get3A_425, %get3A_426] : memref<8x1x768xf32, #tpu.memory_space<vmem>>, vector<1x1x768xf32>
    %get3A_428 = vector.shape_cast %get3A_427 : vector<1x1x768xf32> to vector<1x768xf32>
    %add3A_429 = vector.broadcast %get3A_428 : vector<1x768xf32> to vector<257x768xf32>
    %add3A_430 = arith.addf %dot_general3A_423, %add3A_429 : vector<257x768xf32>
    %max3A_431 = arith.constant 0.000000e+00 : f32
    %max3A_432 = vector.broadcast %max3A_431 : f32 to vector<257x768xf32>
    %max3A_433 = arith.maximumf %add3A_430, %max3A_432 : vector<257x768xf32>
    %convert_element_type3A_434 = arith.truncf %max3A_433 : vector<257x768xf32> to vector<257x768xbf16>
    %get3A_435 = arith.constant 6 : index
    %get3A_436 = arith.constant 0 : index
    %get3A_437 = arith.constant 0 : index
    %get3A_438 = vector.load %arg5[%get3A_435, %get3A_436, %get3A_437] : memref<8x768x21xbf16, #tpu.memory_space<vmem>>, vector<1x768x21xbf16>
    %get3A_439 = vector.shape_cast %get3A_438 : vector<1x768x21xbf16> to vector<768x21xbf16>
    %dot_general3A_440 = arith.constant dense<0.000000e+00> : vector<257x21xf32>
    %dot_general3A_441 = tpu.matmul %convert_element_type3A_434, %get3A_439, %dot_general3A_440 {dimension_numbers = #tpu.dot_dimension_numbers<[1], [0], [0], [1], [0, 0, 1, 1], [], []>, transpose_lhs_hint = false} : vector<257x768xbf16>, vector<768x21xbf16>, vector<257x21xf32> -> vector<257x21xf32>
    %add3A_442 = arith.addf %add3A_378, %dot_general3A_441 : vector<257x21xf32>
    %mul3A_443 = arith.constant 8 : i32
    %mul3A_444 = arith.muli %arg0, %mul3A_443 : i32
    %add3A_445 = arith.constant 7 : i32
    %add3A_446 = arith.addi %mul3A_444, %add3A_445 : i32
    %get3A_447 = arith.index_cast %add3A_446 : i32 to index
    %get3A_448 = arith.constant 2 : index
    %get3A_449 = memref.load %arg1[%get3A_447, %get3A_448] : memref<32x16xf32, #tpu.memory_space<smem>>
    %convert_element_type3A_450 = arith.fptosi %get3A_449 : f32 to i32
    %get3A_451 = arith.index_cast %add3A_446 : i32 to index
    %get3A_452 = arith.constant 3 : index
    %get3A_453 = memref.load %arg1[%get3A_451, %get3A_452] : memref<32x16xf32, #tpu.memory_space<smem>>
    %convert_element_type3A_454 = arith.fptosi %get3A_453 : f32 to i32
    %get3A_455 = arith.constant 0 : index
    %get3A_456 = arith.index_cast %convert_element_type3A_450 : i32 to index
    %get3A_457 = arith.constant 0 : index
    %get3A_458 = arith.constant 0 : index
    %get3A_459 = vector.load %arg2[%get3A_455, %get3A_456, %get3A_457, %get3A_458] : memref<1x12x257x768xf32, #tpu.memory_space<vmem>>, vector<1x1x257x768xf32>
    %get3A_460 = vector.shape_cast %get3A_459 : vector<1x1x257x768xf32> to vector<1x257x768xf32>
    %squeeze3A_461 = vector.shape_cast %get3A_460 : vector<1x257x768xf32> to vector<257x768xf32>
    %get3A_462 = arith.constant 0 : index
    %get3A_463 = arith.index_cast %convert_element_type3A_454 : i32 to index
    %get3A_464 = arith.constant 0 : index
    %get3A_465 = arith.constant 0 : index
    %get3A_466 = vector.load %arg2[%get3A_462, %get3A_463, %get3A_464, %get3A_465] : memref<1x12x257x768xf32, #tpu.memory_space<vmem>>, vector<1x1x257x768xf32>
    %get3A_467 = vector.shape_cast %get3A_466 : vector<1x1x257x768xf32> to vector<1x257x768xf32>
    %squeeze3A_468 = vector.shape_cast %get3A_467 : vector<1x257x768xf32> to vector<257x768xf32>
    %get3A_469 = arith.index_cast %add3A_446 : i32 to index
    %get3A_470 = arith.constant 0 : index
    %get3A_471 = memref.load %arg1[%get3A_469, %get3A_470] : memref<32x16xf32, #tpu.memory_space<smem>>
    %mul3A_472 = vector.broadcast %get3A_471 : f32 to vector<257x768xf32>
    %mul3A_473 = arith.mulf %mul3A_472, %squeeze3A_461 : vector<257x768xf32>
    %get3A_474 = arith.index_cast %add3A_446 : i32 to index
    %get3A_475 = arith.constant 1 : index
    %get3A_476 = memref.load %arg1[%get3A_474, %get3A_475] : memref<32x16xf32, #tpu.memory_space<smem>>
    %mul3A_477 = vector.broadcast %get3A_476 : f32 to vector<257x768xf32>
    %mul3A_478 = arith.mulf %mul3A_477, %squeeze3A_468 : vector<257x768xf32>
    %add3A_479 = arith.addf %mul3A_473, %mul3A_478 : vector<257x768xf32>
    %convert_element_type3A_480 = arith.truncf %add3A_479 : vector<257x768xf32> to vector<257x768xbf16>
    %get3A_481 = arith.constant 7 : index
    %get3A_482 = arith.constant 0 : index
    %get3A_483 = arith.constant 0 : index
    %get3A_484 = vector.load %arg8[%get3A_481, %get3A_482, %get3A_483] : memref<8x768x768xbf16, #tpu.memory_space<vmem>>, vector<1x768x768xbf16>
    %get3A_485 = vector.shape_cast %get3A_484 : vector<1x768x768xbf16> to vector<768x768xbf16>
    %dot_general3A_486 = arith.constant dense<0.000000e+00> : vector<257x768xf32>
    %dot_general3A_487 = tpu.matmul %convert_element_type3A_480, %get3A_485, %dot_general3A_486 {dimension_numbers = #tpu.dot_dimension_numbers<[1], [0], [0], [1], [0, 0, 1, 1], [], []>, transpose_lhs_hint = false} : vector<257x768xbf16>, vector<768x768xbf16>, vector<257x768xf32> -> vector<257x768xf32>
    %get3A_488 = arith.constant 7 : index
    %get3A_489 = arith.constant 0 : index
    %get3A_490 = arith.constant 0 : index
    %get3A_491 = vector.load %arg4[%get3A_488, %get3A_489, %get3A_490] : memref<8x1x768xf32, #tpu.memory_space<vmem>>, vector<1x1x768xf32>
    %get3A_492 = vector.shape_cast %get3A_491 : vector<1x1x768xf32> to vector<1x768xf32>
    %add3A_493 = vector.broadcast %get3A_492 : vector<1x768xf32> to vector<257x768xf32>
    %add3A_494 = arith.addf %dot_general3A_487, %add3A_493 : vector<257x768xf32>
    %max3A_495 = arith.constant 0.000000e+00 : f32
    %max3A_496 = vector.broadcast %max3A_495 : f32 to vector<257x768xf32>
    %max3A_497 = arith.maximumf %add3A_494, %max3A_496 : vector<257x768xf32>
    %convert_element_type3A_498 = arith.truncf %max3A_497 : vector<257x768xf32> to vector<257x768xbf16>
    %get3A_499 = arith.constant 7 : index
    %get3A_500 = arith.constant 0 : index
    %get3A_501 = arith.constant 0 : index
    %get3A_502 = vector.load %arg5[%get3A_499, %get3A_500, %get3A_501] : memref<8x768x21xbf16, #tpu.memory_space<vmem>>, vector<1x768x21xbf16>
    %get3A_503 = vector.shape_cast %get3A_502 : vector<1x768x21xbf16> to vector<768x21xbf16>
    %dot_general3A_504 = arith.constant dense<0.000000e+00> : vector<257x21xf32>
    %dot_general3A_505 = tpu.matmul %convert_element_type3A_498, %get3A_503, %dot_general3A_504 {dimension_numbers = #tpu.dot_dimension_numbers<[1], [0], [0], [1], [0, 0, 1, 1], [], []>, transpose_lhs_hint = false} : vector<257x768xbf16>, vector<768x21xbf16>, vector<257x21xf32> -> vector<257x21xf32>
    %add3A_506 = arith.addf %add3A_442, %dot_general3A_505 : vector<257x21xf32>
    %get3A_507 = arith.constant 0 : index
    %get3A_508 = arith.constant 0 : index
    %get3A_509 = arith.constant 0 : index
    %get3A_510 = vector.load %arg6[%get3A_507, %get3A_508, %get3A_509] : memref<8x1x21xf32, #tpu.memory_space<vmem>>, vector<8x1x21xf32>
    %reduce_sum3A = arith.constant dense<0.000000e+00> : vector<1x21xf32>
    %reduce_sum3A_511 = vector.multi_reduction <add>, %get3A_510, %reduce_sum3A [0] : vector<8x1x21xf32> to vector<1x21xf32>
    %slice3A = vector.extract_strided_slice %add3A_506 {offsets = [1, 0], sizes = [256, 21], strides = [1, 1]} : vector<257x21xf32> to vector<256x21xf32>
    %mul3A_512 = arith.constant 1.250000e-01 : f32
    %mul3A_513 = vector.broadcast %mul3A_512 : f32 to vector<256x21xf32>
    %mul3A_514 = arith.mulf %slice3A, %mul3A_513 : vector<256x21xf32>
    %mul3A_515 = arith.constant 1.250000e-01 : f32
    %mul3A_516 = vector.broadcast %mul3A_515 : f32 to vector<1x21xf32>
    %mul3A_517 = arith.mulf %reduce_sum3A_511, %mul3A_516 : vector<1x21xf32>
    %add3A_518 = vector.broadcast %mul3A_517 : vector<1x21xf32> to vector<256x21xf32>
    %add3A_519 = arith.addf %mul3A_514, %add3A_518 : vector<256x21xf32>
    %swap3A = arith.constant 0 : index
    %swap3A_520 = arith.constant 0 : index
    %swap3A_521 = arith.constant 0 : index
    %swap3A_522 = vector.load %arg7[%swap3A, %swap3A_520, %swap3A_521] : memref<1x256x21xf32, #tpu.memory_space<vmem>>, vector<1x256x21xf32>
    %swap3A_523 = vector.shape_cast %swap3A_522 : vector<1x256x21xf32> to vector<256x21xf32>
    %swap3A_524 = vector.shape_cast %add3A_519 : vector<256x21xf32> to vector<1x256x21xf32>
    tpu.vector_store %arg7[%swap3A, %swap3A_520, %swap3A_521], %swap3A_524 {strides = array<i32>} : memref<1x256x21xf32, #tpu.memory_space<vmem>>, vector<1x256x21xf32>,
    return
  }
  func.func @transform_0(%arg0: i32, %arg1: memref<32x16xf32, #tpu.memory_space<smem>>) -> (i32, i32, i32, i32) {
    %c0_i32 = arith.constant 0 : i32
    %c0_i32_0 = arith.constant 0 : i32
    %c0_i32_1 = arith.constant 0 : i32
    %c0_i32_2 = arith.constant 0 : i32
    return %arg0, %c0_i32, %c0_i32_0, %c0_i32_1 : i32, i32, i32, i32
  }
  func.func @transform_1(%arg0: i32, %arg1: memref<32x16xf32, #tpu.memory_space<smem>>) -> (i32, i32, i32) {
    %c0_i32 = arith.constant 0 : i32
    %c0_i32_0 = arith.constant 0 : i32
    %c0_i32_1 = arith.constant 0 : i32
    %c0_i32_2 = arith.constant 0 : i32
    return %c0_i32, %c0_i32_0, %c0_i32_1 : i32, i32, i32
  }
  func.func @transform_2(%arg0: i32, %arg1: memref<32x16xf32, #tpu.memory_space<smem>>) -> (i32, i32, i32) {
    %c0_i32 = arith.constant 0 : i32
    %c0_i32_0 = arith.constant 0 : i32
    %c0_i32_1 = arith.constant 0 : i32
    %c0_i32_2 = arith.constant 0 : i32
    return %c0_i32, %c0_i32_0, %c0_i32_1 : i32, i32, i32
  }
  func.func @transform_3(%arg0: i32, %arg1: memref<32x16xf32, #tpu.memory_space<smem>>) -> (i32, i32, i32) {
    %c0_i32 = arith.constant 0 : i32
    %c0_i32_0 = arith.constant 0 : i32
    %c0_i32_1 = arith.constant 0 : i32
    %c0_i32_2 = arith.constant 0 : i32
    return %c0_i32, %c0_i32_0, %c0_i32_1 : i32, i32, i32
  }
  func.func @transform_4(%arg0: i32, %arg1: memref<32x16xf32, #tpu.memory_space<smem>>) -> (i32, i32, i32) {
    %c0_i32 = arith.constant 0 : i32
    %c0_i32_0 = arith.constant 0 : i32
    %c0_i32_1 = arith.constant 0 : i32
    %c0_i32_2 = arith.constant 0 : i32
    return %c0_i32, %c0_i32_0, %c0_i32_1 : i32, i32, i32
  }
  func.func @transform_5(%arg0: i32, %arg1: memref<32x16xf32, #tpu.memory_space<smem>>) -> (i32, i32, i32) {
    %c0_i32 = arith.constant 0 : i32
    %c0_i32_0 = arith.constant 0 : i32
    %c0_i32_1 = arith.constant 0 : i32
    return %arg0, %c0_i32, %c0_i32_0 : i32, i32, i32
  }
}

module attributes {stable_mosaic.version = 14 : i64} {
  func.func @_resize_body(%arg0: i32, %arg1: memref<1x336x16xf32, #tpu.memory_space<vmem>>, %arg2: memref<224x16xf32, #tpu.memory_space<vmem>>, %arg3: memref<16x224xf32, #tpu.memory_space<vmem>>, %arg4: memref<1x21x224x224xf32, #tpu.memory_space<vmem>>) attributes {dimension_semantics = [#tpu.dimension_semantics<arbitrary>], iteration_bounds = array<i64: 4>, scalar_prefetch = 0 : i64, scratch_operands = 0 : i64, tpu.core_type = #tpu.core_type<tc>, window_params = [{transform_indices = @transform_0, window_bounds = array<i64: 1, 336, 16>}, {pipeline_mode = #tpu.pipeline_mode<synchronous>, transform_indices = @transform_1, window_bounds = array<i64: 224, 16>}, {pipeline_mode = #tpu.pipeline_mode<synchronous>, transform_indices = @transform_2, window_bounds = array<i64: 16, 224>}, {transform_indices = @transform_3, window_bounds = array<i64: 1, 21, 224, 224>}]} {
    %get3A = arith.constant 0 : index
    %get3A_0 = arith.constant 0 : index
    %get3A_1 = arith.constant 0 : index
    %get3A_2 = vector.load %arg1[%get3A, %get3A_0, %get3A_1] : memref<1x336x16xf32, #tpu.memory_space<vmem>>, vector<1x336x16xf32>
    %get3A_3 = vector.shape_cast %get3A_2 : vector<1x336x16xf32> to vector<336x16xf32>
    %get3A_4 = arith.constant 0 : index
    %get3A_5 = arith.constant 0 : index
    %get3A_6 = vector.load %arg3[%get3A_4, %get3A_5] : memref<16x224xf32, #tpu.memory_space<vmem>>, vector<16x224xf32>
    %dot_general3A = arith.constant dense<0.000000e+00> : vector<336x224xf32>
    %dot_general3A_7 = tpu.matmul %get3A_3, %get3A_6, %dot_general3A {dimension_numbers = #tpu.dot_dimension_numbers<[1], [0], [0], [1], [0, 0, 1, 1], [], []>, transpose_lhs_hint = false} : vector<336x16xf32>, vector<16x224xf32>, vector<336x224xf32> -> vector<336x224xf32>
    %get3A_8 = arith.constant 0 : index
    %get3A_9 = arith.constant 0 : index
    %get3A_10 = vector.load %arg2[%get3A_8, %get3A_9] : memref<224x16xf32, #tpu.memory_space<vmem>>, vector<224x16xf32>
    %slice3A = vector.extract_strided_slice %dot_general3A_7 {offsets = [0, 0], sizes = [16, 224], strides = [1, 1]} : vector<336x224xf32> to vector<16x224xf32>
    %dot_general3A_11 = arith.constant dense<0.000000e+00> : vector<224x224xf32>
    %dot_general3A_12 = tpu.matmul %get3A_10, %slice3A, %dot_general3A_11 {dimension_numbers = #tpu.dot_dimension_numbers<[1], [0], [0], [1], [0, 0, 1, 1], [], []>, transpose_lhs_hint = false} : vector<224x16xf32>, vector<16x224xf32>, vector<224x224xf32> -> vector<224x224xf32>
    %swap3A = arith.constant 0 : index
    %swap3A_13 = arith.constant 0 : index
    %swap3A_14 = arith.constant 0 : index
    %swap3A_15 = arith.constant 0 : index
    %swap3A_16 = vector.load %arg4[%swap3A, %swap3A_13, %swap3A_14, %swap3A_15] : memref<1x21x224x224xf32, #tpu.memory_space<vmem>>, vector<1x1x224x224xf32>
    %swap3A_17 = vector.shape_cast %swap3A_16 : vector<1x1x224x224xf32> to vector<224x224xf32>
    %swap3A_18 = vector.shape_cast %dot_general3A_12 : vector<224x224xf32> to vector<1x1x224x224xf32>
    tpu.vector_store %arg4[%swap3A, %swap3A_13, %swap3A_14, %swap3A_15], %swap3A_18 {strides = array<i32>} : memref<1x21x224x224xf32, #tpu.memory_space<vmem>>, vector<1x1x224x224xf32>,
    %slice3A_19 = vector.extract_strided_slice %dot_general3A_7 {offsets = [16, 0], sizes = [16, 224], strides = [1, 1]} : vector<336x224xf32> to vector<16x224xf32>
    %dot_general3A_20 = arith.constant dense<0.000000e+00> : vector<224x224xf32>
    %dot_general3A_21 = tpu.matmul %get3A_10, %slice3A_19, %dot_general3A_20 {dimension_numbers = #tpu.dot_dimension_numbers<[1], [0], [0], [1], [0, 0, 1, 1], [], []>, transpose_lhs_hint = false} : vector<224x16xf32>, vector<16x224xf32>, vector<224x224xf32> -> vector<224x224xf32>
    %swap3A_22 = arith.constant 0 : index
    %swap3A_23 = arith.constant 1 : index
    %swap3A_24 = arith.constant 0 : index
    %swap3A_25 = arith.constant 0 : index
    %swap3A_26 = vector.load %arg4[%swap3A_22, %swap3A_23, %swap3A_24, %swap3A_25] : memref<1x21x224x224xf32, #tpu.memory_space<vmem>>, vector<1x1x224x224xf32>
    %swap3A_27 = vector.shape_cast %swap3A_26 : vector<1x1x224x224xf32> to vector<224x224xf32>
    %swap3A_28 = vector.shape_cast %dot_general3A_21 : vector<224x224xf32> to vector<1x1x224x224xf32>
    tpu.vector_store %arg4[%swap3A_22, %swap3A_23, %swap3A_24, %swap3A_25], %swap3A_28 {strides = array<i32>} : memref<1x21x224x224xf32, #tpu.memory_space<vmem>>, vector<1x1x224x224xf32>,
    %slice3A_29 = vector.extract_strided_slice %dot_general3A_7 {offsets = [32, 0], sizes = [16, 224], strides = [1, 1]} : vector<336x224xf32> to vector<16x224xf32>
    %dot_general3A_30 = arith.constant dense<0.000000e+00> : vector<224x224xf32>
    %dot_general3A_31 = tpu.matmul %get3A_10, %slice3A_29, %dot_general3A_30 {dimension_numbers = #tpu.dot_dimension_numbers<[1], [0], [0], [1], [0, 0, 1, 1], [], []>, transpose_lhs_hint = false} : vector<224x16xf32>, vector<16x224xf32>, vector<224x224xf32> -> vector<224x224xf32>
    %swap3A_32 = arith.constant 0 : index
    %swap3A_33 = arith.constant 2 : index
    %swap3A_34 = arith.constant 0 : index
    %swap3A_35 = arith.constant 0 : index
    %swap3A_36 = vector.load %arg4[%swap3A_32, %swap3A_33, %swap3A_34, %swap3A_35] : memref<1x21x224x224xf32, #tpu.memory_space<vmem>>, vector<1x1x224x224xf32>
    %swap3A_37 = vector.shape_cast %swap3A_36 : vector<1x1x224x224xf32> to vector<224x224xf32>
    %swap3A_38 = vector.shape_cast %dot_general3A_31 : vector<224x224xf32> to vector<1x1x224x224xf32>
    tpu.vector_store %arg4[%swap3A_32, %swap3A_33, %swap3A_34, %swap3A_35], %swap3A_38 {strides = array<i32>} : memref<1x21x224x224xf32, #tpu.memory_space<vmem>>, vector<1x1x224x224xf32>,
    %slice3A_39 = vector.extract_strided_slice %dot_general3A_7 {offsets = [48, 0], sizes = [16, 224], strides = [1, 1]} : vector<336x224xf32> to vector<16x224xf32>
    %dot_general3A_40 = arith.constant dense<0.000000e+00> : vector<224x224xf32>
    %dot_general3A_41 = tpu.matmul %get3A_10, %slice3A_39, %dot_general3A_40 {dimension_numbers = #tpu.dot_dimension_numbers<[1], [0], [0], [1], [0, 0, 1, 1], [], []>, transpose_lhs_hint = false} : vector<224x16xf32>, vector<16x224xf32>, vector<224x224xf32> -> vector<224x224xf32>
    %swap3A_42 = arith.constant 0 : index
    %swap3A_43 = arith.constant 3 : index
    %swap3A_44 = arith.constant 0 : index
    %swap3A_45 = arith.constant 0 : index
    %swap3A_46 = vector.load %arg4[%swap3A_42, %swap3A_43, %swap3A_44, %swap3A_45] : memref<1x21x224x224xf32, #tpu.memory_space<vmem>>, vector<1x1x224x224xf32>
    %swap3A_47 = vector.shape_cast %swap3A_46 : vector<1x1x224x224xf32> to vector<224x224xf32>
    %swap3A_48 = vector.shape_cast %dot_general3A_41 : vector<224x224xf32> to vector<1x1x224x224xf32>
    tpu.vector_store %arg4[%swap3A_42, %swap3A_43, %swap3A_44, %swap3A_45], %swap3A_48 {strides = array<i32>} : memref<1x21x224x224xf32, #tpu.memory_space<vmem>>, vector<1x1x224x224xf32>,
    %slice3A_49 = vector.extract_strided_slice %dot_general3A_7 {offsets = [64, 0], sizes = [16, 224], strides = [1, 1]} : vector<336x224xf32> to vector<16x224xf32>
    %dot_general3A_50 = arith.constant dense<0.000000e+00> : vector<224x224xf32>
    %dot_general3A_51 = tpu.matmul %get3A_10, %slice3A_49, %dot_general3A_50 {dimension_numbers = #tpu.dot_dimension_numbers<[1], [0], [0], [1], [0, 0, 1, 1], [], []>, transpose_lhs_hint = false} : vector<224x16xf32>, vector<16x224xf32>, vector<224x224xf32> -> vector<224x224xf32>
    %swap3A_52 = arith.constant 0 : index
    %swap3A_53 = arith.constant 4 : index
    %swap3A_54 = arith.constant 0 : index
    %swap3A_55 = arith.constant 0 : index
    %swap3A_56 = vector.load %arg4[%swap3A_52, %swap3A_53, %swap3A_54, %swap3A_55] : memref<1x21x224x224xf32, #tpu.memory_space<vmem>>, vector<1x1x224x224xf32>
    %swap3A_57 = vector.shape_cast %swap3A_56 : vector<1x1x224x224xf32> to vector<224x224xf32>
    %swap3A_58 = vector.shape_cast %dot_general3A_51 : vector<224x224xf32> to vector<1x1x224x224xf32>
    tpu.vector_store %arg4[%swap3A_52, %swap3A_53, %swap3A_54, %swap3A_55], %swap3A_58 {strides = array<i32>} : memref<1x21x224x224xf32, #tpu.memory_space<vmem>>, vector<1x1x224x224xf32>,
    %slice3A_59 = vector.extract_strided_slice %dot_general3A_7 {offsets = [80, 0], sizes = [16, 224], strides = [1, 1]} : vector<336x224xf32> to vector<16x224xf32>
    %dot_general3A_60 = arith.constant dense<0.000000e+00> : vector<224x224xf32>
    %dot_general3A_61 = tpu.matmul %get3A_10, %slice3A_59, %dot_general3A_60 {dimension_numbers = #tpu.dot_dimension_numbers<[1], [0], [0], [1], [0, 0, 1, 1], [], []>, transpose_lhs_hint = false} : vector<224x16xf32>, vector<16x224xf32>, vector<224x224xf32> -> vector<224x224xf32>
    %swap3A_62 = arith.constant 0 : index
    %swap3A_63 = arith.constant 5 : index
    %swap3A_64 = arith.constant 0 : index
    %swap3A_65 = arith.constant 0 : index
    %swap3A_66 = vector.load %arg4[%swap3A_62, %swap3A_63, %swap3A_64, %swap3A_65] : memref<1x21x224x224xf32, #tpu.memory_space<vmem>>, vector<1x1x224x224xf32>
    %swap3A_67 = vector.shape_cast %swap3A_66 : vector<1x1x224x224xf32> to vector<224x224xf32>
    %swap3A_68 = vector.shape_cast %dot_general3A_61 : vector<224x224xf32> to vector<1x1x224x224xf32>
    tpu.vector_store %arg4[%swap3A_62, %swap3A_63, %swap3A_64, %swap3A_65], %swap3A_68 {strides = array<i32>} : memref<1x21x224x224xf32, #tpu.memory_space<vmem>>, vector<1x1x224x224xf32>,
    %slice3A_69 = vector.extract_strided_slice %dot_general3A_7 {offsets = [96, 0], sizes = [16, 224], strides = [1, 1]} : vector<336x224xf32> to vector<16x224xf32>
    %dot_general3A_70 = arith.constant dense<0.000000e+00> : vector<224x224xf32>
    %dot_general3A_71 = tpu.matmul %get3A_10, %slice3A_69, %dot_general3A_70 {dimension_numbers = #tpu.dot_dimension_numbers<[1], [0], [0], [1], [0, 0, 1, 1], [], []>, transpose_lhs_hint = false} : vector<224x16xf32>, vector<16x224xf32>, vector<224x224xf32> -> vector<224x224xf32>
    %swap3A_72 = arith.constant 0 : index
    %swap3A_73 = arith.constant 6 : index
    %swap3A_74 = arith.constant 0 : index
    %swap3A_75 = arith.constant 0 : index
    %swap3A_76 = vector.load %arg4[%swap3A_72, %swap3A_73, %swap3A_74, %swap3A_75] : memref<1x21x224x224xf32, #tpu.memory_space<vmem>>, vector<1x1x224x224xf32>
    %swap3A_77 = vector.shape_cast %swap3A_76 : vector<1x1x224x224xf32> to vector<224x224xf32>
    %swap3A_78 = vector.shape_cast %dot_general3A_71 : vector<224x224xf32> to vector<1x1x224x224xf32>
    tpu.vector_store %arg4[%swap3A_72, %swap3A_73, %swap3A_74, %swap3A_75], %swap3A_78 {strides = array<i32>} : memref<1x21x224x224xf32, #tpu.memory_space<vmem>>, vector<1x1x224x224xf32>,
    %slice3A_79 = vector.extract_strided_slice %dot_general3A_7 {offsets = [112, 0], sizes = [16, 224], strides = [1, 1]} : vector<336x224xf32> to vector<16x224xf32>
    %dot_general3A_80 = arith.constant dense<0.000000e+00> : vector<224x224xf32>
    %dot_general3A_81 = tpu.matmul %get3A_10, %slice3A_79, %dot_general3A_80 {dimension_numbers = #tpu.dot_dimension_numbers<[1], [0], [0], [1], [0, 0, 1, 1], [], []>, transpose_lhs_hint = false} : vector<224x16xf32>, vector<16x224xf32>, vector<224x224xf32> -> vector<224x224xf32>
    %swap3A_82 = arith.constant 0 : index
    %swap3A_83 = arith.constant 7 : index
    %swap3A_84 = arith.constant 0 : index
    %swap3A_85 = arith.constant 0 : index
    %swap3A_86 = vector.load %arg4[%swap3A_82, %swap3A_83, %swap3A_84, %swap3A_85] : memref<1x21x224x224xf32, #tpu.memory_space<vmem>>, vector<1x1x224x224xf32>
    %swap3A_87 = vector.shape_cast %swap3A_86 : vector<1x1x224x224xf32> to vector<224x224xf32>
    %swap3A_88 = vector.shape_cast %dot_general3A_81 : vector<224x224xf32> to vector<1x1x224x224xf32>
    tpu.vector_store %arg4[%swap3A_82, %swap3A_83, %swap3A_84, %swap3A_85], %swap3A_88 {strides = array<i32>} : memref<1x21x224x224xf32, #tpu.memory_space<vmem>>, vector<1x1x224x224xf32>,
    %slice3A_89 = vector.extract_strided_slice %dot_general3A_7 {offsets = [128, 0], sizes = [16, 224], strides = [1, 1]} : vector<336x224xf32> to vector<16x224xf32>
    %dot_general3A_90 = arith.constant dense<0.000000e+00> : vector<224x224xf32>
    %dot_general3A_91 = tpu.matmul %get3A_10, %slice3A_89, %dot_general3A_90 {dimension_numbers = #tpu.dot_dimension_numbers<[1], [0], [0], [1], [0, 0, 1, 1], [], []>, transpose_lhs_hint = false} : vector<224x16xf32>, vector<16x224xf32>, vector<224x224xf32> -> vector<224x224xf32>
    %swap3A_92 = arith.constant 0 : index
    %swap3A_93 = arith.constant 8 : index
    %swap3A_94 = arith.constant 0 : index
    %swap3A_95 = arith.constant 0 : index
    %swap3A_96 = vector.load %arg4[%swap3A_92, %swap3A_93, %swap3A_94, %swap3A_95] : memref<1x21x224x224xf32, #tpu.memory_space<vmem>>, vector<1x1x224x224xf32>
    %swap3A_97 = vector.shape_cast %swap3A_96 : vector<1x1x224x224xf32> to vector<224x224xf32>
    %swap3A_98 = vector.shape_cast %dot_general3A_91 : vector<224x224xf32> to vector<1x1x224x224xf32>
    tpu.vector_store %arg4[%swap3A_92, %swap3A_93, %swap3A_94, %swap3A_95], %swap3A_98 {strides = array<i32>} : memref<1x21x224x224xf32, #tpu.memory_space<vmem>>, vector<1x1x224x224xf32>,
    %slice3A_99 = vector.extract_strided_slice %dot_general3A_7 {offsets = [144, 0], sizes = [16, 224], strides = [1, 1]} : vector<336x224xf32> to vector<16x224xf32>
    %dot_general3A_100 = arith.constant dense<0.000000e+00> : vector<224x224xf32>
    %dot_general3A_101 = tpu.matmul %get3A_10, %slice3A_99, %dot_general3A_100 {dimension_numbers = #tpu.dot_dimension_numbers<[1], [0], [0], [1], [0, 0, 1, 1], [], []>, transpose_lhs_hint = false} : vector<224x16xf32>, vector<16x224xf32>, vector<224x224xf32> -> vector<224x224xf32>
    %swap3A_102 = arith.constant 0 : index
    %swap3A_103 = arith.constant 9 : index
    %swap3A_104 = arith.constant 0 : index
    %swap3A_105 = arith.constant 0 : index
    %swap3A_106 = vector.load %arg4[%swap3A_102, %swap3A_103, %swap3A_104, %swap3A_105] : memref<1x21x224x224xf32, #tpu.memory_space<vmem>>, vector<1x1x224x224xf32>
    %swap3A_107 = vector.shape_cast %swap3A_106 : vector<1x1x224x224xf32> to vector<224x224xf32>
    %swap3A_108 = vector.shape_cast %dot_general3A_101 : vector<224x224xf32> to vector<1x1x224x224xf32>
    tpu.vector_store %arg4[%swap3A_102, %swap3A_103, %swap3A_104, %swap3A_105], %swap3A_108 {strides = array<i32>} : memref<1x21x224x224xf32, #tpu.memory_space<vmem>>, vector<1x1x224x224xf32>,
    %slice3A_109 = vector.extract_strided_slice %dot_general3A_7 {offsets = [160, 0], sizes = [16, 224], strides = [1, 1]} : vector<336x224xf32> to vector<16x224xf32>
    %dot_general3A_110 = arith.constant dense<0.000000e+00> : vector<224x224xf32>
    %dot_general3A_111 = tpu.matmul %get3A_10, %slice3A_109, %dot_general3A_110 {dimension_numbers = #tpu.dot_dimension_numbers<[1], [0], [0], [1], [0, 0, 1, 1], [], []>, transpose_lhs_hint = false} : vector<224x16xf32>, vector<16x224xf32>, vector<224x224xf32> -> vector<224x224xf32>
    %swap3A_112 = arith.constant 0 : index
    %swap3A_113 = arith.constant 10 : index
    %swap3A_114 = arith.constant 0 : index
    %swap3A_115 = arith.constant 0 : index
    %swap3A_116 = vector.load %arg4[%swap3A_112, %swap3A_113, %swap3A_114, %swap3A_115] : memref<1x21x224x224xf32, #tpu.memory_space<vmem>>, vector<1x1x224x224xf32>
    %swap3A_117 = vector.shape_cast %swap3A_116 : vector<1x1x224x224xf32> to vector<224x224xf32>
    %swap3A_118 = vector.shape_cast %dot_general3A_111 : vector<224x224xf32> to vector<1x1x224x224xf32>
    tpu.vector_store %arg4[%swap3A_112, %swap3A_113, %swap3A_114, %swap3A_115], %swap3A_118 {strides = array<i32>} : memref<1x21x224x224xf32, #tpu.memory_space<vmem>>, vector<1x1x224x224xf32>,
    %slice3A_119 = vector.extract_strided_slice %dot_general3A_7 {offsets = [176, 0], sizes = [16, 224], strides = [1, 1]} : vector<336x224xf32> to vector<16x224xf32>
    %dot_general3A_120 = arith.constant dense<0.000000e+00> : vector<224x224xf32>
    %dot_general3A_121 = tpu.matmul %get3A_10, %slice3A_119, %dot_general3A_120 {dimension_numbers = #tpu.dot_dimension_numbers<[1], [0], [0], [1], [0, 0, 1, 1], [], []>, transpose_lhs_hint = false} : vector<224x16xf32>, vector<16x224xf32>, vector<224x224xf32> -> vector<224x224xf32>
    %swap3A_122 = arith.constant 0 : index
    %swap3A_123 = arith.constant 11 : index
    %swap3A_124 = arith.constant 0 : index
    %swap3A_125 = arith.constant 0 : index
    %swap3A_126 = vector.load %arg4[%swap3A_122, %swap3A_123, %swap3A_124, %swap3A_125] : memref<1x21x224x224xf32, #tpu.memory_space<vmem>>, vector<1x1x224x224xf32>
    %swap3A_127 = vector.shape_cast %swap3A_126 : vector<1x1x224x224xf32> to vector<224x224xf32>
    %swap3A_128 = vector.shape_cast %dot_general3A_121 : vector<224x224xf32> to vector<1x1x224x224xf32>
    tpu.vector_store %arg4[%swap3A_122, %swap3A_123, %swap3A_124, %swap3A_125], %swap3A_128 {strides = array<i32>} : memref<1x21x224x224xf32, #tpu.memory_space<vmem>>, vector<1x1x224x224xf32>,
    %slice3A_129 = vector.extract_strided_slice %dot_general3A_7 {offsets = [192, 0], sizes = [16, 224], strides = [1, 1]} : vector<336x224xf32> to vector<16x224xf32>
    %dot_general3A_130 = arith.constant dense<0.000000e+00> : vector<224x224xf32>
    %dot_general3A_131 = tpu.matmul %get3A_10, %slice3A_129, %dot_general3A_130 {dimension_numbers = #tpu.dot_dimension_numbers<[1], [0], [0], [1], [0, 0, 1, 1], [], []>, transpose_lhs_hint = false} : vector<224x16xf32>, vector<16x224xf32>, vector<224x224xf32> -> vector<224x224xf32>
    %swap3A_132 = arith.constant 0 : index
    %swap3A_133 = arith.constant 12 : index
    %swap3A_134 = arith.constant 0 : index
    %swap3A_135 = arith.constant 0 : index
    %swap3A_136 = vector.load %arg4[%swap3A_132, %swap3A_133, %swap3A_134, %swap3A_135] : memref<1x21x224x224xf32, #tpu.memory_space<vmem>>, vector<1x1x224x224xf32>
    %swap3A_137 = vector.shape_cast %swap3A_136 : vector<1x1x224x224xf32> to vector<224x224xf32>
    %swap3A_138 = vector.shape_cast %dot_general3A_131 : vector<224x224xf32> to vector<1x1x224x224xf32>
    tpu.vector_store %arg4[%swap3A_132, %swap3A_133, %swap3A_134, %swap3A_135], %swap3A_138 {strides = array<i32>} : memref<1x21x224x224xf32, #tpu.memory_space<vmem>>, vector<1x1x224x224xf32>,
    %slice3A_139 = vector.extract_strided_slice %dot_general3A_7 {offsets = [208, 0], sizes = [16, 224], strides = [1, 1]} : vector<336x224xf32> to vector<16x224xf32>
    %dot_general3A_140 = arith.constant dense<0.000000e+00> : vector<224x224xf32>
    %dot_general3A_141 = tpu.matmul %get3A_10, %slice3A_139, %dot_general3A_140 {dimension_numbers = #tpu.dot_dimension_numbers<[1], [0], [0], [1], [0, 0, 1, 1], [], []>, transpose_lhs_hint = false} : vector<224x16xf32>, vector<16x224xf32>, vector<224x224xf32> -> vector<224x224xf32>
    %swap3A_142 = arith.constant 0 : index
    %swap3A_143 = arith.constant 13 : index
    %swap3A_144 = arith.constant 0 : index
    %swap3A_145 = arith.constant 0 : index
    %swap3A_146 = vector.load %arg4[%swap3A_142, %swap3A_143, %swap3A_144, %swap3A_145] : memref<1x21x224x224xf32, #tpu.memory_space<vmem>>, vector<1x1x224x224xf32>
    %swap3A_147 = vector.shape_cast %swap3A_146 : vector<1x1x224x224xf32> to vector<224x224xf32>
    %swap3A_148 = vector.shape_cast %dot_general3A_141 : vector<224x224xf32> to vector<1x1x224x224xf32>
    tpu.vector_store %arg4[%swap3A_142, %swap3A_143, %swap3A_144, %swap3A_145], %swap3A_148 {strides = array<i32>} : memref<1x21x224x224xf32, #tpu.memory_space<vmem>>, vector<1x1x224x224xf32>,
    %slice3A_149 = vector.extract_strided_slice %dot_general3A_7 {offsets = [224, 0], sizes = [16, 224], strides = [1, 1]} : vector<336x224xf32> to vector<16x224xf32>
    %dot_general3A_150 = arith.constant dense<0.000000e+00> : vector<224x224xf32>
    %dot_general3A_151 = tpu.matmul %get3A_10, %slice3A_149, %dot_general3A_150 {dimension_numbers = #tpu.dot_dimension_numbers<[1], [0], [0], [1], [0, 0, 1, 1], [], []>, transpose_lhs_hint = false} : vector<224x16xf32>, vector<16x224xf32>, vector<224x224xf32> -> vector<224x224xf32>
    %swap3A_152 = arith.constant 0 : index
    %swap3A_153 = arith.constant 14 : index
    %swap3A_154 = arith.constant 0 : index
    %swap3A_155 = arith.constant 0 : index
    %swap3A_156 = vector.load %arg4[%swap3A_152, %swap3A_153, %swap3A_154, %swap3A_155] : memref<1x21x224x224xf32, #tpu.memory_space<vmem>>, vector<1x1x224x224xf32>
    %swap3A_157 = vector.shape_cast %swap3A_156 : vector<1x1x224x224xf32> to vector<224x224xf32>
    %swap3A_158 = vector.shape_cast %dot_general3A_151 : vector<224x224xf32> to vector<1x1x224x224xf32>
    tpu.vector_store %arg4[%swap3A_152, %swap3A_153, %swap3A_154, %swap3A_155], %swap3A_158 {strides = array<i32>} : memref<1x21x224x224xf32, #tpu.memory_space<vmem>>, vector<1x1x224x224xf32>,
    %slice3A_159 = vector.extract_strided_slice %dot_general3A_7 {offsets = [240, 0], sizes = [16, 224], strides = [1, 1]} : vector<336x224xf32> to vector<16x224xf32>
    %dot_general3A_160 = arith.constant dense<0.000000e+00> : vector<224x224xf32>
    %dot_general3A_161 = tpu.matmul %get3A_10, %slice3A_159, %dot_general3A_160 {dimension_numbers = #tpu.dot_dimension_numbers<[1], [0], [0], [1], [0, 0, 1, 1], [], []>, transpose_lhs_hint = false} : vector<224x16xf32>, vector<16x224xf32>, vector<224x224xf32> -> vector<224x224xf32>
    %swap3A_162 = arith.constant 0 : index
    %swap3A_163 = arith.constant 15 : index
    %swap3A_164 = arith.constant 0 : index
    %swap3A_165 = arith.constant 0 : index
    %swap3A_166 = vector.load %arg4[%swap3A_162, %swap3A_163, %swap3A_164, %swap3A_165] : memref<1x21x224x224xf32, #tpu.memory_space<vmem>>, vector<1x1x224x224xf32>
    %swap3A_167 = vector.shape_cast %swap3A_166 : vector<1x1x224x224xf32> to vector<224x224xf32>
    %swap3A_168 = vector.shape_cast %dot_general3A_161 : vector<224x224xf32> to vector<1x1x224x224xf32>
    tpu.vector_store %arg4[%swap3A_162, %swap3A_163, %swap3A_164, %swap3A_165], %swap3A_168 {strides = array<i32>} : memref<1x21x224x224xf32, #tpu.memory_space<vmem>>, vector<1x1x224x224xf32>,
    %slice3A_169 = vector.extract_strided_slice %dot_general3A_7 {offsets = [256, 0], sizes = [16, 224], strides = [1, 1]} : vector<336x224xf32> to vector<16x224xf32>
    %dot_general3A_170 = arith.constant dense<0.000000e+00> : vector<224x224xf32>
    %dot_general3A_171 = tpu.matmul %get3A_10, %slice3A_169, %dot_general3A_170 {dimension_numbers = #tpu.dot_dimension_numbers<[1], [0], [0], [1], [0, 0, 1, 1], [], []>, transpose_lhs_hint = false} : vector<224x16xf32>, vector<16x224xf32>, vector<224x224xf32> -> vector<224x224xf32>
    %swap3A_172 = arith.constant 0 : index
    %swap3A_173 = arith.constant 16 : index
    %swap3A_174 = arith.constant 0 : index
    %swap3A_175 = arith.constant 0 : index
    %swap3A_176 = vector.load %arg4[%swap3A_172, %swap3A_173, %swap3A_174, %swap3A_175] : memref<1x21x224x224xf32, #tpu.memory_space<vmem>>, vector<1x1x224x224xf32>
    %swap3A_177 = vector.shape_cast %swap3A_176 : vector<1x1x224x224xf32> to vector<224x224xf32>
    %swap3A_178 = vector.shape_cast %dot_general3A_171 : vector<224x224xf32> to vector<1x1x224x224xf32>
    tpu.vector_store %arg4[%swap3A_172, %swap3A_173, %swap3A_174, %swap3A_175], %swap3A_178 {strides = array<i32>} : memref<1x21x224x224xf32, #tpu.memory_space<vmem>>, vector<1x1x224x224xf32>,
    %slice3A_179 = vector.extract_strided_slice %dot_general3A_7 {offsets = [272, 0], sizes = [16, 224], strides = [1, 1]} : vector<336x224xf32> to vector<16x224xf32>
    %dot_general3A_180 = arith.constant dense<0.000000e+00> : vector<224x224xf32>
    %dot_general3A_181 = tpu.matmul %get3A_10, %slice3A_179, %dot_general3A_180 {dimension_numbers = #tpu.dot_dimension_numbers<[1], [0], [0], [1], [0, 0, 1, 1], [], []>, transpose_lhs_hint = false} : vector<224x16xf32>, vector<16x224xf32>, vector<224x224xf32> -> vector<224x224xf32>
    %swap3A_182 = arith.constant 0 : index
    %swap3A_183 = arith.constant 17 : index
    %swap3A_184 = arith.constant 0 : index
    %swap3A_185 = arith.constant 0 : index
    %swap3A_186 = vector.load %arg4[%swap3A_182, %swap3A_183, %swap3A_184, %swap3A_185] : memref<1x21x224x224xf32, #tpu.memory_space<vmem>>, vector<1x1x224x224xf32>
    %swap3A_187 = vector.shape_cast %swap3A_186 : vector<1x1x224x224xf32> to vector<224x224xf32>
    %swap3A_188 = vector.shape_cast %dot_general3A_181 : vector<224x224xf32> to vector<1x1x224x224xf32>
    tpu.vector_store %arg4[%swap3A_182, %swap3A_183, %swap3A_184, %swap3A_185], %swap3A_188 {strides = array<i32>} : memref<1x21x224x224xf32, #tpu.memory_space<vmem>>, vector<1x1x224x224xf32>,
    %slice3A_189 = vector.extract_strided_slice %dot_general3A_7 {offsets = [288, 0], sizes = [16, 224], strides = [1, 1]} : vector<336x224xf32> to vector<16x224xf32>
    %dot_general3A_190 = arith.constant dense<0.000000e+00> : vector<224x224xf32>
    %dot_general3A_191 = tpu.matmul %get3A_10, %slice3A_189, %dot_general3A_190 {dimension_numbers = #tpu.dot_dimension_numbers<[1], [0], [0], [1], [0, 0, 1, 1], [], []>, transpose_lhs_hint = false} : vector<224x16xf32>, vector<16x224xf32>, vector<224x224xf32> -> vector<224x224xf32>
    %swap3A_192 = arith.constant 0 : index
    %swap3A_193 = arith.constant 18 : index
    %swap3A_194 = arith.constant 0 : index
    %swap3A_195 = arith.constant 0 : index
    %swap3A_196 = vector.load %arg4[%swap3A_192, %swap3A_193, %swap3A_194, %swap3A_195] : memref<1x21x224x224xf32, #tpu.memory_space<vmem>>, vector<1x1x224x224xf32>
    %swap3A_197 = vector.shape_cast %swap3A_196 : vector<1x1x224x224xf32> to vector<224x224xf32>
    %swap3A_198 = vector.shape_cast %dot_general3A_191 : vector<224x224xf32> to vector<1x1x224x224xf32>
    tpu.vector_store %arg4[%swap3A_192, %swap3A_193, %swap3A_194, %swap3A_195], %swap3A_198 {strides = array<i32>} : memref<1x21x224x224xf32, #tpu.memory_space<vmem>>, vector<1x1x224x224xf32>,
    %slice3A_199 = vector.extract_strided_slice %dot_general3A_7 {offsets = [304, 0], sizes = [16, 224], strides = [1, 1]} : vector<336x224xf32> to vector<16x224xf32>
    %dot_general3A_200 = arith.constant dense<0.000000e+00> : vector<224x224xf32>
    %dot_general3A_201 = tpu.matmul %get3A_10, %slice3A_199, %dot_general3A_200 {dimension_numbers = #tpu.dot_dimension_numbers<[1], [0], [0], [1], [0, 0, 1, 1], [], []>, transpose_lhs_hint = false} : vector<224x16xf32>, vector<16x224xf32>, vector<224x224xf32> -> vector<224x224xf32>
    %swap3A_202 = arith.constant 0 : index
    %swap3A_203 = arith.constant 19 : index
    %swap3A_204 = arith.constant 0 : index
    %swap3A_205 = arith.constant 0 : index
    %swap3A_206 = vector.load %arg4[%swap3A_202, %swap3A_203, %swap3A_204, %swap3A_205] : memref<1x21x224x224xf32, #tpu.memory_space<vmem>>, vector<1x1x224x224xf32>
    %swap3A_207 = vector.shape_cast %swap3A_206 : vector<1x1x224x224xf32> to vector<224x224xf32>
    %swap3A_208 = vector.shape_cast %dot_general3A_201 : vector<224x224xf32> to vector<1x1x224x224xf32>
    tpu.vector_store %arg4[%swap3A_202, %swap3A_203, %swap3A_204, %swap3A_205], %swap3A_208 {strides = array<i32>} : memref<1x21x224x224xf32, #tpu.memory_space<vmem>>, vector<1x1x224x224xf32>,
    %slice3A_209 = vector.extract_strided_slice %dot_general3A_7 {offsets = [320, 0], sizes = [16, 224], strides = [1, 1]} : vector<336x224xf32> to vector<16x224xf32>
    %dot_general3A_210 = arith.constant dense<0.000000e+00> : vector<224x224xf32>
    %dot_general3A_211 = tpu.matmul %get3A_10, %slice3A_209, %dot_general3A_210 {dimension_numbers = #tpu.dot_dimension_numbers<[1], [0], [0], [1], [0, 0, 1, 1], [], []>, transpose_lhs_hint = false} : vector<224x16xf32>, vector<16x224xf32>, vector<224x224xf32> -> vector<224x224xf32>
    %swap3A_212 = arith.constant 0 : index
    %swap3A_213 = arith.constant 20 : index
    %swap3A_214 = arith.constant 0 : index
    %swap3A_215 = arith.constant 0 : index
    %swap3A_216 = vector.load %arg4[%swap3A_212, %swap3A_213, %swap3A_214, %swap3A_215] : memref<1x21x224x224xf32, #tpu.memory_space<vmem>>, vector<1x1x224x224xf32>
    %swap3A_217 = vector.shape_cast %swap3A_216 : vector<1x1x224x224xf32> to vector<224x224xf32>
    %swap3A_218 = vector.shape_cast %dot_general3A_211 : vector<224x224xf32> to vector<1x1x224x224xf32>
    tpu.vector_store %arg4[%swap3A_212, %swap3A_213, %swap3A_214, %swap3A_215], %swap3A_218 {strides = array<i32>} : memref<1x21x224x224xf32, #tpu.memory_space<vmem>>, vector<1x1x224x224xf32>,
    return
  }
  func.func @transform_0(%arg0: i32) -> (i32, i32, i32) {
    %c0_i32 = arith.constant 0 : i32
    %c0_i32_0 = arith.constant 0 : i32
    %c0_i32_1 = arith.constant 0 : i32
    return %arg0, %c0_i32, %c0_i32_0 : i32, i32, i32
  }
  func.func @transform_1(%arg0: i32) -> (i32, i32) {
    %c0_i32 = arith.constant 0 : i32
    %c0_i32_0 = arith.constant 0 : i32
    %c0_i32_1 = arith.constant 0 : i32
    return %c0_i32, %c0_i32_0 : i32, i32
  }
  func.func @transform_2(%arg0: i32) -> (i32, i32) {
    %c0_i32 = arith.constant 0 : i32
    %c0_i32_0 = arith.constant 0 : i32
    %c0_i32_1 = arith.constant 0 : i32
    return %c0_i32, %c0_i32_0 : i32, i32
  }
  func.func @transform_3(%arg0: i32) -> (i32, i32, i32, i32) {
    %c0_i32 = arith.constant 0 : i32
    %c0_i32_0 = arith.constant 0 : i32
    %c0_i32_1 = arith.constant 0 : i32
    %c0_i32_2 = arith.constant 0 : i32
    return %arg0, %c0_i32, %c0_i32_0, %c0_i32_1 : i32, i32, i32, i32
  }
}

</mosaic_0001>

<sc_bundles>
// kernel: kernel.5.cloned.1.call-start
scs
__scs_entry_jumppad:
0x0: {  	(pc) =	sbr.rel $0x88, $3  }
0x1: {  	(tag) =	ssettag $0x0;
	lr =	simm.s32 $0x1  }
0x2: {  	[smem:$0x3F9A] =	sst lr;
	_ =	strace $0xD0000000  }
0x3: {  	_ = 	snop  }
0x4: {  	_ = 	snop  }
0x5: {  	_ = 	snop  }
0x6: {  	_ = 	snop  }
0x7: {  	_ = 	snop  }
__scs_overlays_trampoline_lowered:
0x8: {  	[smem:$0x3FA9] =	sst s0  }
0x9: {  	[smem:$0x3FAA] =	sst s1  }
0xa: {  	[smem:$0x3FAB] =	sst s2  }
0xb: {  	[smem:$0x3FAC] =	sst s3  }
0xc: {  	[smem:$0x3FAD] =	sst s4  }
0xd: {  	[smem:$0x3FAE] =	sst s5  }
0xe: {  	[smem:$0x3FAF] =	sst s6  }
0xf: {  	[smem:$0x3FB0] =	sst s7  }
0x10: {  	[smem:$0x3FB1] =	sst s8  }
0x11: {  	[smem:$0x3FB2] =	sst s9;
	s0 =	simm.s32 @!p0 $0x0  }
0x12: {  	s1 =	sld [smem:$0x3F98];
	s0 =	simm.s32 @p0 $0x1  }
0x13: {  	[smem:$0x3FB3] =	sst s0;
	s0 =	simm.s32 @!p1 $0x0  }
0x14: {  	s2 =	sld [smem:$0x3F97];
	s0 =	simm.s32 @p1 $0x1  }
0x15: {  	[smem:$0x3FB4] =	sst s0;
	s0 =	simm.s32 @!p2 $0x0  }
0x16: {  	s3 =	sld [smem:$0x3FDB];
	s0 =	simm.s32 @p2 $0x1  }
0x17: {  	s4 =	simm.s32 $0x1BF5;
	[smem:$0x3FB6] =	sst s0  }
0x18: {  	s0 =	sld [smem:$0x3F99];
	_ =	swait.ge [sflag:s4], $0x0  }
0x19: {  	s7 =	sld [smem:$0x3F9A]  }
0x1a: {  	s8 =	sadd.s32 $0xFFFFE003, lr  }
0x1b: {  	s9 =	sadd.s32 $0xFFFFFEF7, lr;
	s5 =	simm.s32 $0xFFFFFFFF;
	p2 =	slt.u32 s8, $0xFFFFF086  }
0x1c: {  	p1 =	slt.u32 s9, $0xF7A;
	s5 =	simm.s32 @!p2 $0x0  }
0x1d: {  	s5 =	simm.s32 @p1 $0x1;
	p0 =	seq.s32 s7, s2  }
0x1e: {  	s7 =	smul.u32 @!p0 $0xF7A, s2;
	p2 =	seq.s32 @!p0 s5, $0x0  }
0x1f: {  	s9 =	smul.u32 $0xF7A, s1;
	s8 =	simm.s32 @!p0 $0x1BF5;
	p2 =	por !p2, p0  }
0x20: {  	[sflag:s8] =	ssyncset.s32 @!p0 $0xFFFFF086;
	s6 =	sadd.s32 @!p0 s3, s7;
	s7 =	simm.s32 @!p0 $0x108  }
0x21: {  	s3 =	sadd.s32 s3, s9;
	s6 =	sadd.s32 @!p0 $0x88, s6;
	s7 =	simm.s32 @p2 $0x1082  }
0x22: {  	[simem:s7], [sflag:s8] =	dma.local @!p0 [hbm:s6], $0xF7A  }
0x23: {  	s9 =	sor.u32 $0xD0000000, s2;
	s6 =	simm.s32 $0x108;
	_ =	swait.ge @!p0 [sflag:s8], $0x0  }
0x24: {  	s3 =	sadd.s32 $0x88, s3;
	s6 =	simm.s32 @!p1 $0x1082;
	[sflag:s4] =	ssyncset.s32 $0xFFFFF086  }
0x25: {  	[simem:s6], [sflag:s4] =	dma.local [hbm:s3], $0xF7A  }
0x26: {  	[smem:$0x3F9A] =	sst s1;
	(tag) =	ssettag s2;
	_ =	strace s9  }
0x27: {  	s1 =	sld [smem:$0x3FAA]  }
0x28: {  	s2 =	sld [smem:$0x3FAB]  }
0x29: {  	s4 =	sld [smem:$0x3FAD]  }
0x2a: {  	p0 =	seq.s32 s5, $0x0;
	s5 =	sld [smem:$0x3FAE]  }
0x2b: {  	s6 =	sld [smem:$0x3FAF]  }
0x2c: {  	s7 =	sld [smem:$0x3FB0]  }
0x2d: {  	s3 =	simm.s32 $0x108;
	s8 =	sld [smem:$0x3FB1]  }
0x2e: {  	s3 =	simm.s32 @!p0 $0x1082;
	s9 =	sld [smem:$0x3FB2]  }
0x2f: {  	lr =	sadd.s32 s0, s3;
	s0 =	sld [smem:$0x3FA9]  }
0x30: {  	s3 =	sld [smem:$0x3FAC]  }
0x31: {  	[smem:$0x3FB5] =	sst s10  }
0x32: {  	s10 =	sld [smem:$0x3FB3];
	_ =	sdelay $0x3  }
0x33: {  	p0 =	seq.s32 s10, $0x1;
	s10 =	sld [smem:$0x3FB5];
	_ =	sdelay $0x3  }
0x34: {  	[smem:$0x3FB5] =	sst s10  }
0x35: {  	s10 =	sld [smem:$0x3FB4];
	_ =	sdelay $0x3  }
0x36: {  	p1 =	seq.s32 s10, $0x1;
	s10 =	sld [smem:$0x3FB5];
	_ =	sdelay $0x3  }
0x37: {  	[smem:$0x3FB5] =	sst s10  }
0x38: {  	s10 =	sld [smem:$0x3FB6]  }
0x39: {  	_ = 	snop;
	(pc) =	sbr.ind lr, $3  }
0x3a: {  	_ = 	snop  }
0x3b: {  	_ = 	snop  }
0x3c: {  	p2 =	seq.s32 s10, $0x1;
	s10 =	sld [smem:$0x3FB5]  }
0x3d: {  	_ =	shalt  }
0x3e: {  	_ =	shalt  }
0x3f: {  	_ =	shalt  }
0x40: {  	_ =	shalt  }
0x41: {  	_ =	shalt  }
0x42: {  	_ =	shalt  }
0x43: {  	_ =	shalt  }
0x44: {  	_ =	shalt  }
0x45: {  	_ =	shalt  }
0x46: {  	_ =	shalt  }
0x47: {  	_ =	shalt  }
0x48: {  	_ =	shalt  }
0x49: {  	_ =	shalt  }
0x4a: {  	_ =	shalt  }
0x4b: {  	_ =	shalt  }
0x4c: {  	_ =	shalt  }
0x4d: {  	_ =	shalt  }
0x4e: {  	_ =	shalt  }
0x4f: {  	_ =	shalt  }
0x50: {  	_ =	shalt  }
0x51: {  	_ =	shalt  }
0x52: {  	_ =	shalt  }
0x53: {  	_ =	shalt  }
0x54: {  	_ =	shalt  }
0x55: {  	_ =	shalt  }
0x56: {  	_ =	shalt  }
0x57: {  	_ =	shalt  }
0x58: {  	_ =	shalt  }
0x59: {  	_ =	shalt  }
0x5a: {  	_ =	shalt  }
0x5b: {  	_ =	shalt  }
0x5c: {  	_ =	shalt  }
0x5d: {  	_ =	shalt  }
0x5e: {  	_ =	shalt  }
0x5f: {  	_ =	shalt  }
0x60: {  	_ =	shalt  }
0x61: {  	_ =	shalt  }
0x62: {  	_ =	shalt  }
0x63: {  	_ =	shalt  }
0x64: {  	_ =	shalt  }
0x65: {  	_ =	shalt  }
0x66: {  	_ =	shalt  }
0x67: {  	_ =	shalt  }
0x68: {  	_ =	shalt  }
0x69: {  	_ =	shalt  }
0x6a: {  	_ =	shalt  }
0x6b: {  	_ =	shalt  }
0x6c: {  	_ =	shalt  }
0x6d: {  	_ =	shalt  }
0x6e: {  	_ =	shalt  }
0x6f: {  	_ =	shalt  }
0x70: {  	_ =	shalt  }
0x71: {  	_ =	shalt  }
0x72: {  	_ =	shalt  }
0x73: {  	_ =	shalt  }
0x74: {  	_ =	shalt  }
0x75: {  	_ =	shalt  }
0x76: {  	_ =	shalt  }
0x77: {  	_ =	shalt  }
0x78: {  	_ =	shalt  }
0x79: {  	_ =	shalt  }
0x7a: {  	_ =	shalt  }
0x7b: {  	_ =	shalt  }
0x7c: {  	_ =	shalt  }
0x7d: {  	_ =	shalt  }
0x7e: {  	_ =	shalt  }
0x7f: {  	_ =	shalt  }
0x80: {  	_ =	shalt  }
0x81: {  	_ =	shalt  }
0x82: {  	_ =	shalt  }
0x83: {  	_ =	shalt  }
0x84: {  	_ =	shalt  }
0x85: {  	_ =	shalt  }
0x86: {  	_ =	shalt  }
0x87: {  	_ =	shalt  }
.Lfunc_end0:
.L_simem_size_0:
called_computation_lowered:
.L_overlay_start_0:
0x88: {  	s2 =	sld [smem:$0x3FD9]  }
0x89: {  	s3 =	sld [smem:$0x3FFE];
	_ =	sdelay $0x1  }
0x8a: {  	s1 =	srdreg.scid  }
0x8b: {  	s0 =	sand.u32 $0x1, s1  }
0x8c: {  	s17 =	sshll.u32 s0, $0xA;
	s2 =	sadd.s32 s3, s2  }
0x8d: {  	s2 =	sadd.s32 s2, s17  }
0x8e: {  	[smem:$0x3FC1] =	sst s2  }
0x8f: {  	_ = 	snop  }
0x90: {  	s2 =	sld [smem:$0x3FD0];
	(tm) =	ssettm $0x1  }
0x91: {  	s18 =	sld [smem:$0x3FFB];
	_ =	sdelay $0x3  }
0x92: {  	_ =	strace s18  }
0x93: {  	s3 =	sld [smem:$0x3FFC];
	_ =	sdelay $0x3  }
0x94: {  	_ =	strace s3  }
0x95: {  	s3 =	sld [smem:$0x3FFD];
	_ =	sdelay $0x3  }
0x96: {  	_ =	strace s3  }
0x97: {  	_ =	strace $0x8FFFFFFF  }
0x98: {  	s19 =	sld [smem:$0x3FDB];
	_ =	sdelay $0x1  }
0x99: {  	s4 =	simm.s32 $_scs_section_size  }
0x9a: {  	s5 =	simm.s32 $_size__tile_overlayer_lowered;
	s6 =	simm.s32 $_tile_overlayer_lowered  }
0x9b: {  	s22 =	simm.s32 $0x1BFF;
	s21 =	sshll.u32 s6, $0x1;
	s3 =	sadd.s32 s4, s19  }
0x9c: {  	s7 =	simm.s32 $0x0;
	s20 =	sshll.u32 s5, $0x1;
	s5 =	sadd.s32 s21, s3  }
0x9d: {  	[timem:s7], [sflag:s22] =	dma.local [hbm:s5], s20  }
0x9e: {  	_ =	swait.ge [sflag:s22], s20  }
0x9f: {  	s4 =	ssub.s32 $0x0, s20;
	[sflag:s22] =	ssyncset.done $0x0  }
0xa0: {  	[sflag:s22] =	ssyncadd.s32 s4;
	_ =	sdelay $0x1  }
0xa1: {  	s23 =	simm.s32 $0x1B8B  }
0xa2: {  	_ =	swait.ge [sflag:s23], $0x1  }
0xa3: {  	[sflag:s23] =	ssyncset.done $0x0  }
0xa4: {  	s25 =	simm.s32 $0x1B8E;
	s24 =	sld [smem:$0x3FFE];
	[sflag:s23] =	ssyncadd.s32 $0xFFFFFFFF  }
0xa5: {  	s26 =	simm.s32 $execute0_lowered;
	[smem:$0x3FD2] =	sst s25  }
0xa6: {  	s5 =	sshll.u32 s26, $0x1;
	_ =	strace $0x80000046;
	[dreg:$0x1] =	wrdreg $0xFFFFFFFF  }
0xa7: {  	s28 =	simm.s32 $_size_execute0_lowered;
	s3 =	sadd.s32 s3, s5;
	[dreg:$0x0] =	wrdreg $0x0  }
0xa8: {  	s5 =	sshll.u32 s28, $0x1;
	[dreg:$0x2] =	wrdreg s3  }
0xa9: {  	[dreg:$0x3] =	wrdreg s5  }
0xaa: {  	[dreg:$0x4] =	wrdreg $0xC0  }
0xab: {  	_ =	task [dreg:s7], $0x5FFFF  }
0xac: {  	[dreg:$0x1] =	wrdreg $0xFFFFFFFF  }
0xad: {  	[dreg:$0x0] =	wrdreg $0x60  }
0xae: {  	[dreg:$0x2] =	wrdreg s2  }
0xaf: {  	[dreg:$0x3] =	wrdreg s24  }
0xb0: {  	[dreg:$0x4] =	wrdreg $0x9  }
0xb1: {  	_ =	task.clear_ibuf [dreg:s7], $0x5FFFF;
	_ =	strace $0x90000046  }
0xb2: {  	s29 =	simm.s32 $0x9;
	_ =	strace $0x80000048  }
0xb3: {  	_ =	swait.ge [sflag:s29], $0x1  }
0xb4: {  	[sflag:s29] =	ssyncadd.s32 $0xFFFFFFFF  }
0xb5: {  	_ =	strace $0x90000048  }
0xb6: {  	_ =	sfence  }
0xb7: {  	s30 =	sld [smem:$0x0];
	_ =	sdelay $0x2  }
0xb8: {  	s31 =	sshll.u32 s1, $0xD;
	s1 =	sshrl.u32 s1, $0x2  }
0xb9: {  	s3 =	sand.u32 $0x4000, s31;
	s1 =	sadd.s32 s1, s30  }
0xba: {  	s0 =	sor.u32 s3, s0;
	s1 =	sshll.u32 s1, $0x11  }
0xbb: {  	s0 =	sor.u32 s1, s0  }
0xbc: {  	s0 =	sadd.s32 $0x8F2B, s0  }
0xbd: {  	[sflag:s0] =	ssyncadd.remote.s32 $0x1  }
0xbe: {  	_ =	sfence.sel $0xFFFF  }
0xbf: {  	[dreg:$0x0] =	wrdreg $0xFFFFFFFF;
	(pc) =	sbr.abs _section_cstart, $3  }
0xc0: {  	[dreg:$0x1] =	wrdreg $0xFFFFFFFF  }
0xc1: {  	_ =	task.clear_ibuf [dreg:s7], $0x2FFFF;
	_ =	strace $0x9FFFFFFF  }
0xc2: {  	(tm) =	ssettm $0x7FFFFFFF  }
0xc3: {  	_ =	shalt  }
tec
execute0_lowered:
.L_overlay_start_1:
0x0: {  	(tag) =	ssettag $0x1  }
0x1: {  	s4 =	rddreg [dreg:$0x0];
	s1 =	srdreg.scid  }
0x2: {  	s0 =	stileid.u32;
	s5 =	rddreg [dreg:$0x1];
	s2 =	simm.s32 $0x0  }
0x3: {  	s11 =	simm.s32 $0x3300;
	s12 =	simm.s32 $0x3380;
	s13 =	simm.s32 $0x0  }
0x4: {  	s3 =	sand.u32 $0x1, s1;
	s6 =	sshll.u32 s0, $0x1;
	s1 =	rddreg [dreg:$0x2]  }
0x5: {  	[smem:$0x7FF] =	sst s2;
	s9 =	sshrl.u32 s0, $0x2;
	s6 =	sor.u32 s3, s6  }
0x6: {  	v0 =	vlaneseq.u32;
	vm1 =	vmmov $0x1;
	_ =	strace $0x80000047;
	s31 =	ssub.s32 $0x2, s3;
	s9 =	smul.u32 $0x600, s9  }
0x7: {  	vm2 =	vmmov $0x3;
	vm3 =	vmmov $0x7;
	vm4 =	vmmov $0xf;
	s3 =	sadd.s32 $0x2200, s5;
	s7 =	sand.u32 $0x7, s6;
	s6 =	sshll.u32 s6, $0x4  }
0x8: {  	vm5 =	vmmov $0x1f;
	vm6 =	vmmov $0x3f;
	vm7 =	vmmov $0x7f;
	s10 =	sshrl.u32 s31, $0x1;
	s8 =	sshll.u32 s7, $0x4;
	s6 =	sadd.s32 s6, s5  }
0x9: {  	vm8 =	vmmov $0xff;
	vm9 =	vmmov $0x1ff;
	vm10 =	vmmov $0x3ff;
	s4 =	sadd.s32 s4, s9;
	s9 =	simm.s32 $0x80;
	s30 =	sadd.s32 s8, s5  }
0xa: {  	vm11 =	vmmov $0x7ff;
	vm12 =	vmmov $0xfff;
	v1 =	vmov s7;
	s8 =	ssub.s32 s31, s10;
	s6 =	sadd.s32 $0x2400, s6;
	s10 =	simm.s32 $0x400  }
0xb: {  	vm15 =	vcmask $0x3F08;
	vm0 =	veq.s32 v1, v0;
	v1 =	vor.u32 $0x80000000, v0;
	s5 =	sadd.s32 $0x1E00, s30;
	s7 =	smax.u32 s8, $0x1;
	s8 =	simm.s32 $0x1  }
.LBB2_1:
0xc: {  	[tilespmem:s2], [sflag:$0x1] =	stream.linear.gather [hbm4b:s4+s2], $0x3000, $0x38;
	[tilespmem:$0x3400] =	vst v63  }
0xd: {  	_ =	swait.ge [sflag:s8], $0x3000  }
0xe: {  	[sflag:s8] =	ssyncset.done $0x0  }
0xf: {  	s14 =	simm.s32 $0x3000;
	[sflag:s8] =	ssyncadd.s32 $0xFFFFD000  }
0x10: {  	[tilespmem:s14], [sflag:$0x1] =	stream.strided.gather [hbm4b:s5+s9], $0x300, s10, s9, $0x38;
	[tilespmem:$0x3400] =	vst v63  }
0x11: {  	_ =	swait.ge [sflag:s8], $0x300  }
0x12: {  	[sflag:s8] =	ssyncset.done $0x0  }
0x13: {  	[sflag:s8] =	ssyncadd.s32 $0xFFFFFD00  }
0x14: {  	[tilespmem:s11], [sflag:$0x1] =	stream.linear.gather [hbm4b:s3+s2], $0x80, $0x38;
	[tilespmem:$0x3400] =	vst v63  }
0x15: {  	_ =	swait.ge [sflag:s8], $0x80  }
0x16: {  	[sflag:s8] =	ssyncset.done $0x0  }
0x17: {  	s15 =	sand.u32 $0x70, s2;
	s16 =	sand.u32 $0x1C00, s2;
	[sflag:s8] =	ssyncadd.s32 $0xFFFFFF80  }
0x18: {  	s20 =	sor.u32 s15, s16;
	v3 =	vld [tilespmem:s14+$0x0]  }
0x19: {  	v2 =	vld [tilespmem:s20+$0x1980]  }
0x1a: {  	v4 =	vld [tilespmem:s20+$0x0]  }
0x1b: {  	v5 =	vld [tilespmem:s20+$0x80]  }
0x1c: {  	v6 =	vld [tilespmem:s20+$0x100]  }
0x1d: {  	v8 =	vld [tilespmem:s20+$0x200]  }
0x1e: {  	v12 =	vld [tilespmem:s20+$0x280]  }
0x1f: {  	v7 =	vld [tilespmem:s20+$0x180]  }
0x20: {  	v11 =	vimm.f32 $0.0e+00  }
0x21: {  	s31 =	sor.u32 s2, s2;
	v14 =	vimm.f32 $0.0e+00;
	v2 =	vmul.f32 v2, v3;
	v4 =	vmul.f32 v4, v3  }
0x22: {  	v13 =	vimm.f32 $0.0e+00;
	s14 =	sor.u32 $0x380, s31;
	v19 =	vld [tilespmem:s20+$0x300];
	v5 =	vmul.f32 v5, v3;
	v6 =	vmul.f32 v6, v3  }
0x23: {  	v18 =	vld [tilespmem:s14+$0x0];
	v20 =	vmul.f32 v8, v3;
	v21 =	vmul.f32 v12, v3;
	v12 =	vimm.f32 $0.0e+00  }
0x24: {  	v16 =	vld [tilespmem:s20+$0x1800];
	v2 =	vadd.f32 v2, v11;
	v10 =	vadd.f32 v4, v11;
	v4 =	vmul.f32 v7, v3  }
0x25: {  	s17 =	simm.s32 $0x20;
	s15 =	simm.s32 $0x10;
	v15 =	vld [tilespmem:s20+$0x1880];
	s14 =	simm.s32 $0x80;
	v8 =	vimm.f32 $0.0e+00;
	v9 =	vadd.f32 v5, v11;
	v7 =	vadd.f32 v6, v11  }
0x26: {  	s16 =	simm.s32 $0x3010;
	s18 =	sand.u32 $0x70, s15;
	v17 =	vld [tilespmem:s20+$0x1900];
	s19 =	sand.u32 $0x1C00, s14;
	v5 =	vimm.f32 $0.0e+00;
	v6 =	vadd.f32 v4, v11;
	v4 =	vimm.f32 $0.0e+00  }
.LBB2_2:
0x27: {  	p0 =	sne.s32 s17, $0x2F0;
	v22 =	vld [tilespmem:s16+$0x0];
	s20 =	sor.u32 s18, s19;
	s15 =	sor.u32 s14, s15;
	v11 =	vadd.f32 v20, v11;
	v19 =	vmul.f32 v19, v3  }
0x28: {  	s18 =	sor.u32 $0x380, s15;
	v20 =	vld [tilespmem:s20+$0x1980];
	v14 =	vadd.f32 v21, v14;
	v18 =	vmul.f32 v18, v3;
	s15 =	smov.u32 s17  }
0x29: {  	v21 =	vld [tilespmem:s20+$0x0];
	v13 =	vadd.f32 v19, v13;
	v16 =	vmul.f32 v16, v3  }
0x2a: {  	v19 =	vld [tilespmem:s20+$0x80];
	v12 =	vadd.f32 v18, v12;
	v15 =	vmul.f32 v15, v3  }
0x2b: {  	v18 =	vld [tilespmem:s20+$0x100];
	v8 =	vadd.f32 v16, v8;
	v16 =	vmul.f32 v17, v3  }
0x2c: {  	v17 =	vld [tilespmem:s20+$0x180];
	v5 =	vadd.f32 v15, v5;
	v3 =	vmov v22  }
0x2d: {  	v15 =	vld [tilespmem:s20+$0x200];
	v20 =	vmul.f32 v20, v3;
	v4 =	vadd.f32 v16, v4  }
0x2e: {  	v16 =	vmul.f32 v21, v3;
	v21 =	vld [tilespmem:s20+$0x280]  }
.Ltmp0:
0x2f: {  	v22 =	vmul.f32 v19, v3;
	v19 =	vld [tilespmem:s20+$0x300];
	v2 =	vadd.f32 v20, v2;
	(pc) =	sbr.rel @p0 .LBB2_2-.Ltmp0, $4  }
0x30: {  	v10 =	vadd.f32 v16, v10;
	v20 =	vmul.f32 v18, v3;
	v18 =	vld [tilespmem:s18+$0x0]  }
0x31: {  	v9 =	vadd.f32 v22, v9;
	v17 =	vmul.f32 v17, v3;
	v16 =	vld [tilespmem:s20+$0x1800]  }
0x32: {  	s14 =	sadd.s32 $0x80, s14;
	s16 =	sadd.s32 $0x10, s16;
	v7 =	vadd.f32 v20, v7;
	v20 =	vmul.f32 v15, v3;
	v15 =	vld [tilespmem:s20+$0x1880]  }
0x33: {  	s19 =	sand.u32 $0x1C00, s14;
	s17 =	sadd.s32 $0x10, s17;
	s18 =	sand.u32 $0x70, s15;
	v6 =	vadd.f32 v17, v6;
	v21 =	vmul.f32 v21, v3;
	v17 =	vld [tilespmem:s20+$0x1900]  }
0x34: {  	v22 =	vld [tilespmem:s16+$0x0];
	s28 =	sor.u32 s18, s19  }
0x35: {  	v23 =	vld [tilespmem:s28+$0x0]  }
0x36: {  	v24 =	vld [tilespmem:s28+$0x80]  }
0x37: {  	v25 =	vld [tilespmem:s28+$0x100]  }
0x38: {  	v26 =	vld [tilespmem:s28+$0x180]  }
0x39: {  	v27 =	vld [tilespmem:s28+$0x200]  }
0x3a: {  	v19 =	vmul.f32 v19, v3;
	v61 =	vld [tilespmem:s28+$0x280]  }
0x3b: {  	s14 =	sor.u32 s14, s15;
	v11 =	vadd.f32 v20, v11;
	v14 =	vadd.f32 v21, v14;
	v63 =	vld [tilespmem:s28+$0x300];
	v60 =	vmul.f32 v23, v22  }
0x3c: {  	s14 =	sor.u32 $0x380, s14;
	v18 =	vmul.f32 v18, v3;
	v31 =	vld [tilespmem:s28+$0x1800];
	v13 =	vadd.f32 v19, v13;
	v62 =	vmul.f32 v24, v22  }
0x3d: {  	v29 =	vld [tilespmem:s14+$0x0];
	v16 =	vmul.f32 v16, v3;
	v28 =	vmul.f32 v25, v22;
	v10 =	vadd.f32 v60, v10  }
0x3e: {  	v33 =	vld [tilespmem:s28+$0x1880];
	v12 =	vadd.f32 v18, v12;
	v30 =	vmul.f32 v26, v22;
	v9 =	vadd.f32 v62, v9  }
0x3f: {  	v35 =	vld [tilespmem:s28+$0x1900];
	v15 =	vmul.f32 v15, v3;
	v32 =	vmul.f32 v27, v22;
	v7 =	vadd.f32 v28, v7;
	(xrf2) =	vadd.scan.msk.f32 $0xffff, v10  }
0x40: {  	v8 =	vadd.f32 v16, v8;
	v34 =	vmul.f32 v61, v22;
	v6 =	vadd.f32 v30, v6;
	(xrf2) =	vadd.scan.msk.f32 $0xffff, v9  }
0x41: {  	v36 =	vld [tilespmem:s28+$0x1980];
	v3 =	vmul.f32 v17, v3;
	v37 =	vmul.f32 v63, v22;
	v11 =	vadd.f32 v32, v11;
	(xrf2) =	vadd.scan.msk.f32 $0xffff, v7  }
0x42: {  	v5 =	vadd.f32 v15, v5;
	v38 =	vmul.f32 v29, v22;
	v14 =	vadd.f32 v34, v14;
	(xrf2) =	vadd.scan.msk.f32 $0xffff, v6  }
0x43: {  	v40 =	vmul.f32 v31, v22;
	v3 =	vadd.f32 v3, v4;
	v39 =	vadd.f32 v37, v13;
	(xrf2) =	vadd.scan.msk.f32 $0xffff, v11  }
0x44: {  	v43 =	vmul.f32 v35, v22;
	v41 =	vadd.f32 v38, v12;
	v10 =	vmul.f32 v33, v22;
	(xrf2) =	vadd.scan.msk.f32 $0xffff, v14  }
0x45: {  	v44 =	vld [tilespmem:$0x3300];
	v42 =	vadd.f32 v40, v8;
	(xrf2) =	vadd.scan.msk.f32 $0xffff, v39  }
0x46: {  	v3 =	vadd.f32 v43, v3;
	v7 =	vmul.f32 v36, v22;
	v5 =	vadd.f32 v10, v5;
	(xrf2) =	vadd.scan.msk.f32 $0xffff, v41  }
0x47: {  	(xrf2) =	vadd.scan.msk.f32 $0xffff, v42  }
0x48: {  	v2 =	vadd.f32 v7, v2;
	(xrf2) =	vadd.scan.msk.f32 $0xffff, v5  }
0x49: {  	v45, _, _ =	vpop (xrf2);
	(xrf2) =	vadd.scan.msk.f32 $0xffff, v3  }
0x4a: {  	v3, _, _ =	vpop (xrf2);
	(xrf2) =	vadd.scan.msk.f32 $0xffff, v2;
	v2 =	vnsel vm0, $0x0, v44;
	_ =	sdelay $0x1  }
0x4b: {  	v4 =	vbroadcast v45, $0xF;
	v3 =	vbroadcast v3, $0xF;
	v46, _, _ =	vpop (xrf2);
	(xrf2) =	vadd.scan.msk.f32 $0xffff, v2  }
0x4c: {  	v5 =	vbroadcast v46, $0xF;
	v2, _, _ =	vpop (xrf2)  }
0x4d: {  	v3 =	vsel vm1, v4, v3;
	v47, _, _ =	vpop (xrf2);
	v2 =	vbroadcast v2, $0xF  }
0x4e: {  	v3 =	vsel vm2, v3, v5;
	v48, _, _ =	vpop (xrf2);
	v49 =	vbroadcast v47, $0xF  }
0x4f: {  	v50, _, _ =	vpop (xrf2);
	v2 =	vsel vm3, v3, v2;
	v3 =	vbroadcast v48, $0xF  }
0x50: {  	v51, _, _ =	vpop (xrf2);
	v2 =	vsel vm4, v2, v49;
	v52 =	vbroadcast v50, $0xF  }
0x51: {  	v53, _, _ =	vpop (xrf2);
	v2 =	vsel vm5, v2, v3;
	v3 =	vbroadcast v51, $0xF  }
0x52: {  	v54, _, _ =	vpop (xrf2);
	v2 =	vsel vm6, v2, v52;
	v55 =	vbroadcast v53, $0xF  }
0x53: {  	v56, _, _ =	vpop (xrf2);
	v2 =	vsel vm7, v2, v3;
	v3 =	vbroadcast v54, $0xF  }
0x54: {  	v2 =	vsel vm8, v2, v55;
	v57 =	vbroadcast v56, $0xF;
	v58, _, _ =	vpop (xrf2)  }
0x55: {  	v2 =	vsel vm9, v2, v3;
	v3 =	vbroadcast v58, $0xF;
	v59, _, _ =	vpop (xrf2)  }
0x56: {  	v2 =	vsel vm10, v2, v57;
	v60 =	vbroadcast v59, $0xF  }
0x57: {  	v2 =	vsel vm11, v2, v3  }
0x58: {  	v2 =	vadd.f32 v60, v2;
	_ =	sdelay $0x1  }
0x59: {  	v2 =	vnsel vm12, $0xFF61B1E6, v2  }
0x5a: {  	(xrf0) =	vmax.scan.msk.f32 $0xffff, v2;
	_ =	sdelay $0x5  }
0x5b: {  	v3, _, _ =	vpop (xrf0)  }
0x5c: {  	v3 =	vbroadcast v3, $0xF;
	_ =	sdelay $0x1  }
0x5d: {  	vm13 =	vge.f32 v2, v3  }
0x5e: {  	v61 =	vnsel vm13, $0x80000010, v1  }
0x5f: {  	(xrf0) =	vmin.scan.msk.u32 $0xffff, v61;
	_ =	sdelay $0x5  }
0x60: {  	v4, _, _ =	vpop (xrf0)  }
0x61: {  	(v2sf) =	vpush v4, $0xF;
	_ =	sdelay $0xe  }
0x62: {  	s29 =	spop (v2sf)  }
0x63: {  	s14 =	sxor.u32 $0x80000000, s29  }
0x64: {  	v62 =	vmov s14  }
0x65: {  	v3 =	vsub.f32 v2, v3;
	vm13 =	veq.s32 v62, v0  }
0x66: {  	v2 =	vsel vm13, $0xFF61B1E6, v2  }
0x67: {  	v3 =	vmul.f32 $1.442695020e+00, v3;
	(xrf0) =	vmax.scan.msk.f32 $0xffff, v2;
	_ =	sdelay $0x1  }
0x68: {  	(erf) = vpow2.f32 v3;
	_ =	sdelay $0x3  }
0x69: {  	v3, _, _ =	vpop (xrf0)  }
0x6a: {  	v3 =	vbroadcast v3, $0xF;
	_ =	sdelay $0x2  }
0x6b: {  	vm14 =	vge.f32 v2, v3  }
0x6c: {  	v2 =	vnsel vm14, $0x80000010, v1;
	v3 =	vpop (erf)  }
0x6d: {  	(xrf0) =	vmin.scan.msk.u32 $0xffff, v2;
	v2 =	vnsel vm12, $0x0, v3  }
0x6e: {  	(xrf2) =	vadd.scan.msk.f32 $0xffff, v2;
	_ =	sdelay $0x5  }
0x6f: {  	v3, _, _ =	vpop (xrf0)  }
0x70: {  	(v2sf) =	vpush v3, $0xF;
	_ =	sdelay $0x2  }
0x71: {  	v3, _, _ =	vpop (xrf2)  }
0x72: {  	v3 =	vbroadcast v3, $0xF;
	_ =	sdelay $0x1  }
0x73: {  	(erf) = vrcp.f32 v3;
	_ =	sdelay $0x8  }
0x74: {  	s30 =	spop (v2sf);
	v3 =	vpop (erf)  }
0x75: {  	s15 =	sxor.u32 $0x80000000, s30;
	v2 =	vmul.f32 v3, v2  }
0x76: {  	v3 =	vmov s15  }
0x77: {  	v4 =	vnsel vm13, $0x0, v2;
	vm13 =	veq.s32 v3, v0  }
0x78: {  	v2 =	vnsel vm13, $0x0, v2;
	(xrf2) =	vadd.scan.msk.f32 $0xffff, v4  }
0x79: {  	(xrf2) =	vadd.scan.msk.f32 $0xffff, v2;
	_ =	sdelay $0x8  }
0x7a: {  	v2, _, _ =	vpop (xrf2)  }
0x7b: {  	(v2sf) =	vpush v2, $0xF;
	v2, _, _ =	vpop (xrf2)  }
0x7c: {  	(v2sf) =	vpush v2, $0xF;
	_ =	sdelay $0xd  }
0x7d: {  	s31 =	spop (v2sf)  }
0x7e: {  	s17 =	spop (v2sf)  }
0x7f: {  	s16 =	ssub.f32 s17, s31;
	_ =	sdelay $0x1  }
0x80: {  	v2 =	vmov s16  }
0x81: {  	v2 =	vmul.f32 $1.442695020e+00, v2;
	_ =	sdelay $0x1  }
0x82: {  	v2 =	vbroadcast v2, $0x0;
	_ =	sdelay $0x1  }
0x83: {  	(erf) = vpow2.f32 v2;
	_ =	sdelay $0x8  }
0x84: {  	v2 =	vpop (erf)  }
0x85: {  	v3 =	vadd.f32 $1.000000000e+00, v2;
	_ =	sdelay $0x1  }
0x86: {  	(erf) = vrcp.f32 v3;
	_ =	sdelay $0x6  }
0x87: {  	s14 =	scvt.s32.f32 s14;
	_ =	sdelay $0x1  }
0x88: {  	v63 =	vmov s14;
	s15 =	scvt.s32.f32 s15;
	vm13 =	vcmask $0xB08;
	v3 =	vpop (erf)  }
0x89: {  	v4 =	vnsel vm13, $0x0, v63;
	vm13 =	vcmask $0xF0C;
	v2 =	vmul.f32 v3, v2  }
0x8a: {  	v4 =	vsel vm13, s15, v4  }
0x8b: {  	s13 =	sadd.s32 $0x1, s13;
	v2 =	vsel vm15, v4, v2  }
0x8c: {  	p0 =	sne.s32 s13, s7;
	v2 =	vsel vm1, v3, v2  }
.Ltmp1:
0x8d: {  	[tilespmem:$0x3380] =	vst v2;
	(pc) =	sbr.rel @p0 .LBB2_1-.Ltmp1, $4  }
0x8e: {  	[hbm4b:s6+s2] =	stream.linear.scatter [tilespmem:s12], [sflag:$0x1], $0x80, $0x38;
	[tilespmem:$0x3400] =	vst v63  }
0x8f: {  	_ =	swait.ge [sflag:s8], $0x80  }
0x90: {  	[sflag:s8] =	ssyncset.done $0x0  }
0x91: {  	[sflag:s8] =	ssyncadd.s32 $0xFFFFFF80  }
0x92: {  	_ =	sfence.sel $0x180000  }
0x93: {  	[bflag:$0x0] =	sbarrier.arrive $0xFFFF  }
0x94: {  	p0 =	sne.s32 s0, $0x0;
	_ =	strace $0x90000047  }
0x95: {  	s0 =	sadd.s32 @!p0 $0x100000, s1;
	[bflag:$0x2] =	sbarrier.arrive $0xFFFF  }
0x96: {  	[sflag:s0] =	ssyncadd.tile.s32 @!p0 $0x1;
	_ =	shalt  }
.Lfunc_end2:
_tile_overlayer_lowered:
.L_overlay_start_2:
0x97: {  	(tag) =	ssettag $0x2  }
0x98: {  	s0 =	rddreg [dreg:$0x0];
	s2 =	stileid.u32  }
0x99: {  	s1 =	rddreg [dreg:$0x1];
	p0 =	sne.s32 s2, $0x0  }
0x9a: {  	s3 =	rddreg [dreg:$0x2];
	[bflag:$0x3] =	sbarrier.arrive $0xFFFF;
	s2 =	simm.s32 @!p0 $0x1C01  }
0x9b: {  	[timem:s3], [sflag:s2] =	dma.local @!p0 [hbm:s0], s1  }
0x9c: {  	s0 =	simm.s32 @!p0 $0x1  }
0x9d: {  	_ =	swait.ge @!p0 [sflag:s0], s1  }
0x9e: {  	s1 =	ssub.s32 @!p0 $0x0, s1;
	[sflag:s0] =	ssyncset.done @!p0 $0x0  }
0x9f: {  	[sflag:s0] =	ssyncadd.s32 @!p0 s1  }
0xa0: {  	[bflag:$0x3] =	sbarrier.arrive $0xFFFF  }
0xa1: {  	_ =	shalt  }

</sc_bundles>
